<compile_context>
chip_gen: v7x
topology: tpu7x:2x2x1
jax: 0.10.2.dev20260603
libtpu: 0.0.44.dev20260713+nightly
codegen_flags: <defaults>
</compile_context>

<pallas_src>
import functools

import jax
import jax.numpy as jnp
from jax import lax
from jax.experimental import pallas as pl
from jax.experimental.pallas import tpu as pltpu
from jax.experimental.pallas import tpu_sc as plsc

B = 4
N = 8192
S = 512
K = 32
RADIUS = 0.2
CIN = 32
COUT = 64
SB = 128
NSB = S // SB
RB = K * SB
NTOT = B * S * K
EPS = 1e-5

_HIGH = lax.Precision.HIGHEST



def _fps_kernel(xyzt_ref, cen_ref):
    x = xyzt_ref[0]
    y = xyzt_ref[1]
    z = xyzt_ref[2]
    lane = lax.broadcasted_iota(jnp.int32, (B, N), 1)
    scol = lax.broadcasted_iota(jnp.int32, (B, S), 1)

    def body(i, carry):
        dist, far, cxa, cya, cza = carry
        sel = lane == far
        cx = jnp.sum(jnp.where(sel, x, 0.0), axis=1, keepdims=True)
        cy = jnp.sum(jnp.where(sel, y, 0.0), axis=1, keepdims=True)
        cz = jnp.sum(jnp.where(sel, z, 0.0), axis=1, keepdims=True)
        rec = scol == i
        cxa = jnp.where(rec, cx, cxa)
        cya = jnp.where(rec, cy, cya)
        cza = jnp.where(rec, cz, cza)
        dx = x - cx
        dy = y - cy
        dz = z - cz
        d = dx * dx + dy * dy + dz * dz
        dist = jnp.minimum(dist, d)
        m = jnp.max(dist, axis=1, keepdims=True)
        far = jnp.min(jnp.where(dist == m, lane, N), axis=1, keepdims=True)
        return dist, far, cxa, cya, cza

    init = (jnp.full((B, N), 1e10, jnp.float32),
            jnp.zeros((B, 1), jnp.int32),
            jnp.zeros((B, S), jnp.float32),
            jnp.zeros((B, S), jnp.float32),
            jnp.zeros((B, S), jnp.float32))
    _, _, cxa, cya, cza = lax.fori_loop(0, 1, body, init)
    cen_ref[:, 0, :] = cxa
    cen_ref[:, 1, :] = cya
    cen_ref[:, 2, :] = cza


def _run_fps(xyzt):
    return pl.pallas_call(
        _fps_kernel,
        out_shape=jax.ShapeDtypeStruct((B, 3, S), jnp.float32),
    )(xyzt)



def _bq_kernel(xyz_ref, cen_ref, idx_ref):
    b = pl.program_id(0)
    px = xyz_ref[0, :, 0:1]
    py = xyz_ref[0, :, 1:2]
    pz = xyz_ref[0, :, 2:3]
    cx = cen_ref[0, 0:1, :]
    cy = cen_ref[0, 1:2, :]
    cz = cen_ref[0, 2:3, :]
    pn = px * px + py * py + pz * pz
    cn = cx * cx + cy * cy + cz * cz
    xp = xyz_ref[0]
    cmat = cen_ref[0]
    dotc = lax.dot_general(xp, cmat, (((1,), (0,)), ((), ())),
                           preferred_element_type=jnp.float32)
    d2 = (cn + pn) - 2.0 * dotc
    dist0 = jnp.sqrt(jnp.maximum(d2, 0.0))
    sub = lax.broadcasted_iota(jnp.int32, (N, SB), 0)
    base = b * N

    def body(k, dist):
        m = jnp.min(dist, axis=0, keepdims=True)
        am = jnp.min(jnp.where(dist == m, sub, N), axis=0, keepdims=True)
        sel = jnp.where(m > RADIUS, 0, am) + base
        idx_ref[0, 0, pl.ds(k, 1), :] = sel
        return jnp.where(sub == am, jnp.inf, dist)

    lax.fori_loop(0, K, body, dist0)


def _run_bq(xyz, cen):
    return pl.pallas_call(
        _bq_kernel,
        grid=(B, NSB),
        in_specs=[
            pl.BlockSpec((1, N, 3), lambda b, s: (b, 0, 0)),
            pl.BlockSpec((1, 3, SB), lambda b, s: (b, 0, s)),
        ],
        out_specs=pl.BlockSpec((1, 1, K, SB), lambda b, s: (b, s, 0, 0)),
        out_shape=jax.ShapeDtypeStruct((B, NSB, K, SB), jnp.int32),
        compiler_params=pltpu.CompilerParams(
            dimension_semantics=("parallel", "parallel")),
    )(xyz, cen)



_NW = 32
_CHUNK = 128
_RPW = (B * S * K) // _NW
_NCHUNK = _RPW // _CHUNK

@functools.lru_cache(maxsize=1)
def _make_sc_gather():
    info = plsc.get_sparse_core_info()
    nc = info.num_cores
    mesh = plsc.VectorSubcoreMesh(core_axis_name="c", subcore_axis_name="s")

    @functools.partial(
        pl.kernel,
        mesh=mesh,
        compiler_params=pltpu.CompilerParams(use_tc_tiling_on_sc=False),
        out_type=jax.ShapeDtypeStruct((B * S * K, CIN), jnp.float32),
        scratch_types=[
            pltpu.VMEM((_NCHUNK, _CHUNK), jnp.int32),
            pltpu.VMEM((_CHUNK, CIN), jnp.float32),
            pltpu.SemaphoreType.DMA,
        ],
    )
    def _sc_gather(idx_hbm, table_hbm, out_hbm, idx_v, rows_v, sem):
        wid = lax.axis_index("s") * nc + lax.axis_index("c")
        pltpu.sync_copy(idx_hbm.at[wid], idx_v)
        base = wid * _RPW

        def body(j, _):
            pltpu.async_copy(table_hbm.at[idx_v.at[j]], rows_v, sem).wait()
            pltpu.sync_copy(rows_v,
                            out_hbm.at[pl.ds(base + j * _CHUNK, _CHUNK)])
            return 0

        lax.fori_loop(0, _NCHUNK, body, 0)

    return _sc_gather



def _h1(g_ref, nx_ref, w1t_ref, b1_ref):
    g = g_ref[0]
    nx = nx_ref[0]
    w1t = w1t_ref[...]
    dn = (((1,), (0,)), ((), ()))
    h = lax.dot_general(g, w1t, dn, precision=_HIGH,
                        preferred_element_type=jnp.float32)
    h = h - lax.dot_general(nx, w1t[0:3, :], dn, precision=_HIGH,
                            preferred_element_type=jnp.float32)
    return h + b1_ref[...]


def _accum(st_ref, h):
    ps = jnp.concatenate(
        [jnp.sum(h, axis=0, keepdims=True),
         jnp.sum(h * h, axis=0, keepdims=True)], axis=0)
    st_ref[0, 0] = ps


def _stats1_kernel(g_ref, nx_ref, w1t_ref, b1_ref, st_ref):
    _accum(st_ref, _h1(g_ref, nx_ref, w1t_ref, b1_ref))


def _h2(g_ref, nx_ref, w1t_ref, b1_ref, sc1_ref, sh1_ref, w2t_ref, b2_ref):
    h = _h1(g_ref, nx_ref, w1t_ref, b1_ref)
    r = jnp.maximum(h * sc1_ref[...] + sh1_ref[...], 0.0)
    dn = (((1,), (0,)), ((), ()))
    h2 = lax.dot_general(r, w2t_ref[...], dn, precision=_HIGH,
                         preferred_element_type=jnp.float32)
    return h2 + b2_ref[...]


def _stats2_kernel(g_ref, nx_ref, w1t_ref, b1_ref, sc1_ref, sh1_ref,
                   w2t_ref, b2_ref, st_ref):
    _accum(st_ref, _h2(g_ref, nx_ref, w1t_ref, b1_ref,
                       sc1_ref, sh1_ref, w2t_ref, b2_ref))


def _final_kernel(g_ref, nx_ref, w1t_ref, b1_ref, sc1_ref, sh1_ref,
                  w2t_ref, b2_ref, sc2_ref, sh2_ref, out_ref):
    h2 = _h2(g_ref, nx_ref, w1t_ref, b1_ref,
             sc1_ref, sh1_ref, w2t_ref, b2_ref)
    o = jnp.maximum(h2 * sc2_ref[...] + sh2_ref[...], 0.0)
    m = o[0:SB, :]
    for k in range(1, K):
        m = jnp.maximum(m, o[k * SB:(k + 1) * SB, :])
    out_ref[0] = m


def _mlp_specs(extra):
    specs = [
        pl.BlockSpec((1, RB, CIN), lambda b, s: (b, s, 0)),
        pl.BlockSpec((1, RB, 3), lambda b, s: (b, s, 0)),
        pl.BlockSpec((CIN, COUT), lambda b, s: (0, 0)),
        pl.BlockSpec((1, COUT), lambda b, s: (0, 0)),
    ]
    for _ in range(extra):
        specs.append(pl.BlockSpec((1, COUT), lambda b, s: (0, 0)))
    return specs


def _run_stats1(gr, nxrep, w1t, b1r):
    return pl.pallas_call(
        _stats1_kernel,
        grid=(B, NSB),
        in_specs=_mlp_specs(0),
        out_specs=pl.BlockSpec((1, 1, 2, COUT), lambda b, s: (b, s, 0, 0)),
        out_shape=jax.ShapeDtypeStruct((B, NSB, 2, COUT), jnp.float32),
        compiler_params=pltpu.CompilerParams(
            dimension_semantics=("parallel", "parallel")),
    )(gr, nxrep, w1t, b1r)


def _run_stats2(gr, nxrep, w1t, b1r, sc1, sh1, w2t, b2r):
    specs = _mlp_specs(2)
    specs.insert(6, pl.BlockSpec((COUT, COUT), lambda b, s: (0, 0)))
    specs.append(pl.BlockSpec((1, COUT), lambda b, s: (0, 0)))
    return pl.pallas_call(
        _stats2_kernel,
        grid=(B, NSB),
        in_specs=specs,
        out_specs=pl.BlockSpec((1, 1, 2, COUT), lambda b, s: (b, s, 0, 0)),
        out_shape=jax.ShapeDtypeStruct((B, NSB, 2, COUT), jnp.float32),
        compiler_params=pltpu.CompilerParams(
            dimension_semantics=("parallel", "parallel")),
    )(gr, nxrep, w1t, b1r, sc1, sh1, w2t, b2r)


def _run_final(gr, nxrep, w1t, b1r, sc1, sh1, w2t, b2r, sc2, sh2):
    specs = _mlp_specs(2)
    specs.insert(6, pl.BlockSpec((COUT, COUT), lambda b, s: (0, 0)))
    specs.append(pl.BlockSpec((1, COUT), lambda b, s: (0, 0)))
    specs.append(pl.BlockSpec((1, COUT), lambda b, s: (0, 0)))
    specs.append(pl.BlockSpec((1, COUT), lambda b, s: (0, 0)))
    return pl.pallas_call(
        _final_kernel,
        grid=(B, NSB),
        in_specs=specs,
        out_specs=pl.BlockSpec((1, SB, COUT), lambda b, s: (b, s, 0)),
        out_shape=jax.ShapeDtypeStruct((B, S, COUT), jnp.float32),
        compiler_params=pltpu.CompilerParams(
            dimension_semantics=("parallel", "parallel")),
    )(gr, nxrep, w1t, b1r, sc1, sh1, w2t, b2r, sc2, sh2)



def kernel(xyz, features, W1, b1, g1, be1, W2, b2, g2, be2):
    xyzt = jnp.transpose(xyz, (2, 0, 1))
    cen = _run_fps(xyzt)
    new_xyz = jnp.transpose(cen, (0, 2, 1))

    idxg = _run_bq(xyz, cen)
    idx_flat = idxg.reshape(_NW, _NCHUNK, _CHUNK)

    table = jnp.concatenate([xyz, features], axis=-1).reshape(B * N, CIN)
    g = _make_sc_gather()(idx_flat, table)
    gr = g.reshape(B, NSB * RB, CIN)

    nxrep = jnp.broadcast_to(
        new_xyz.reshape(B, NSB, 1, SB, 3),
        (B, NSB, K, SB, 3)).reshape(B, NSB * RB, 3)

    w1t = W1.T
    w2t = W2.T
    b1r = b1.reshape(1, COUT)
    b2r = b2.reshape(1, COUT)

    st1 = _run_stats1(gr, nxrep, w1t, b1r).sum(axis=(0, 1))
    mu1 = st1[0:1] / NTOT
    var1 = jnp.maximum(st1[1:2] / NTOT - mu1 * mu1, 0.0)
    sc1 = g1.reshape(1, COUT) / jnp.sqrt(var1 + EPS)
    sh1 = be1.reshape(1, COUT) - mu1 * sc1

    st2 = _run_stats2(gr, nxrep, w1t, b1r, sc1, sh1, w2t, b2r).sum(axis=(0, 1))
    mu2 = st2[0:1] / NTOT
    var2 = jnp.maximum(st2[1:2] / NTOT - mu2 * mu2, 0.0)
    sc2 = g2.reshape(1, COUT) / jnp.sqrt(var2 + EPS)
    sh2 = be2.reshape(1, COUT) - mu2 * sc2

    new_features = _run_final(gr, nxrep, w1t, b1r, sc1, sh1, w2t, b2r,
                              sc2, sh2)
    return new_xyz, new_features

# --- scband reference (transcript-rebuilt; emitter-appended) ---
"""Pipeline reference for scband-point-net-set-abstraction-19413252178083 (READ-ONLY COPY).

The authoritative reference and input builder live on the scoring server;
editing this copy changes nothing except your own understanding.
"""

import jax, jax.numpy as jnp
import numpy as np

NPOINT = 512
RADIUS = 0.2
NSAMPLE = 32
IN_C = 32
OUT_C = 64


def index_points(points, idx):
    B = points.shape[0]
    batch = jnp.arange(B).reshape((B,) + (1,) * (idx.ndim - 1))
    return points[batch, idx]


def farthest_point_sample(xyz, npoint):
    B, N, _ = xyz.shape
    def body(i, carry):
        centroids, distance, farthest = carry
        centroids = centroids.at[:, i].set(farthest)
        centroid = xyz[jnp.arange(B), farthest][:, None, :]
        d = jnp.sum((xyz - centroid) ** 2, -1)
        distance = jnp.minimum(distance, d)
        farthest = jnp.argmax(distance, -1).astype(jnp.int32)
        return (centroids, distance, farthest)
    init = (jnp.zeros((B, npoint), jnp.int32),
            jnp.full((B, N), 1e10, jnp.float32),
            jnp.zeros((B,), jnp.int32))
    centroids, _, _ = jax.lax.fori_loop(0, npoint, body, init)
    return centroids


def ball_query(radius, nsample, xyz, new_xyz):
    B, S, _ = new_xyz.shape
    N = xyz.shape[1]
    d2 = (jnp.sum(new_xyz ** 2, -1)[:, :, None]
          + jnp.sum(xyz ** 2, -1)[:, None, :]
          - 2.0 * jnp.einsum('bsc,bnc->bsn', new_xyz, xyz))
    dist = jnp.sqrt(jnp.maximum(d2, 0.0))
    group_idx = jnp.broadcast_to(jnp.arange(N, dtype=jnp.int32)[None, None, :], (B, S, N))
    mask = dist > radius
    group_first = jnp.broadcast_to(group_idx[:, :, :1], (B, S, N))
    group_idx = jnp.where(mask, group_first, group_idx)
    sort_idx = jnp.argsort(dist, axis=-1)
    group_idx = jnp.take_along_axis(group_idx, sort_idx, axis=-1)[:, :, :nsample]
    return group_idx


def batchnorm(x, gamma, beta, eps=1e-5):
    mean = jnp.mean(x, axis=(0, 2, 3), keepdims=True)
    var = jnp.var(x, axis=(0, 2, 3), keepdims=True)
    xh = (x - mean) / jnp.sqrt(var + eps)
    return xh * gamma[None, :, None, None] + beta[None, :, None, None]


def setup_inputs(seed: int = 0) -> dict:
    key = jax.random.key(seed)
    ks = jax.random.split(key, 6)
    xyz = jax.random.uniform(ks[0], (4, 8192, 3), dtype=jnp.float32)
    features = jax.random.normal(ks[1], (4, 8192, 29), dtype=jnp.float32)
    W1 = jax.random.normal(ks[2], (OUT_C, IN_C), dtype=jnp.float32) * (1.0 / np.sqrt(IN_C))
    b1 = jnp.zeros((OUT_C,), jnp.float32)
    g1 = jnp.ones((OUT_C,), jnp.float32)
    be1 = jnp.zeros((OUT_C,), jnp.float32)
    W2 = jax.random.normal(ks[3], (OUT_C, OUT_C), dtype=jnp.float32) * (1.0 / np.sqrt(OUT_C))
    b2 = jnp.zeros((OUT_C,), jnp.float32)
    g2 = jnp.ones((OUT_C,), jnp.float32)
    be2 = jnp.zeros((OUT_C,), jnp.float32)
    return {"xyz": xyz, "features": features, "W1": W1, "b1": b1, "g1": g1, "be1": be1,
            "W2": W2, "b2": b2, "g2": g2, "be2": be2}


def reference(xyz, features, W1, b1, g1, be1, W2, b2, g2, be2):
    fps_idx = farthest_point_sample(xyz, NPOINT)
    new_xyz = index_points(xyz, fps_idx)
    group_idx = ball_query(RADIUS, NSAMPLE, xyz, new_xyz)
    grouped_xyz = index_points(xyz, group_idx) - new_xyz[:, :, None, :]
    grouped_features = index_points(features, group_idx)
    combined = jnp.concatenate([grouped_xyz, grouped_features], axis=-1)
    combined = jnp.transpose(combined, (0, 3, 1, 2))
    h = jnp.einsum('oc,bcsk->bosk', W1, combined) + b1[None, :, None, None]
    h = jax.nn.relu(batchnorm(h, g1, be1))
    h = jnp.einsum('oc,bcsk->bosk', W2, h) + b2[None, :, None, None]
    h = jax.nn.relu(batchnorm(h, g2, be2))
    new_features = jnp.max(h, axis=3)
    return new_xyz, jnp.transpose(new_features, (0, 2, 1))

if __name__ == "__main__":
    import jax
    _d = setup_inputs()
    print(jax.jit(kernel)(*tuple(_d.values())))

</pallas_src>

<mosaic_0001>
#map = affine_map<(d0, d1) -> (0, 0, 0)>
#map1 = affine_map<(d0, d1) -> (0, 0)>
module attributes {stable_mosaic.version = 14 : i64} {
  func.func @_sc_gather(%arg0: i32, %arg1: i32, %arg2: memref<32x16x128xi32, #tpu.memory_space<hbm>>, %arg3: memref<32768x32xf32, #tpu.memory_space<hbm>>, %arg4: memref<65536x32xf32, #tpu.memory_space<hbm>>, %arg5: memref<16x128xi32, #tpu.memory_space<vmem>>, %arg6: memref<128x32xf32, #tpu.memory_space<vmem>>, %arg7: memref<!tpu.dma_semaphore, #tpu.memory_space<semaphore_mem>>) attributes {dimension_semantics = [#tpu.dimension_semantics<core_parallel>, #tpu.dimension_semantics<subcore_parallel>], iteration_bounds = array<i64: 2, 16>, scalar_prefetch = 0 : i64, scratch_operands = 3 : i64, tpu.core_type = #tpu.core_type<sc_vector_subcore>, window_params = [{transform_indices = #map}, {transform_indices = #map1}, {transform_indices = #map1}]} {
    %mul3A = arith.constant 2 : i32
    %mul3A_0 = arith.muli %arg1, %mul3A : i32
    %add3A = arith.addi %mul3A_0, %arg0 : i32
    "tpu.region"() ({
      %run_scoped3A = tpu.sem_alloc : memref<!tpu.dma_semaphore, #tpu.memory_space<semaphore_mem>>
      %dma_start3A = arith.constant 0 : i32
      %dma_start3A_9 = arith.constant 0 : i32
      %dma_start3A_10 = tpu.memref_slice %arg2[%add3A, %dma_start3A, %dma_start3A_9] : memref<32x16x128xi32, #tpu.memory_space<hbm>> -> memref<1x16x128xi32, #tpu.memory_space<hbm>>
      %dma_start3A_11 = tpu.memref_squeeze %dma_start3A_10 : memref<1x16x128xi32, #tpu.memory_space<hbm>> -> memref<16x128xi32, #tpu.memory_space<hbm>>
      %dma_start3A_12 = arith.constant 0 : i32
      %dma_start3A_13 = arith.constant 0 : i32
      %dma_start3A_14 = tpu.memref_slice %arg2[%add3A, %dma_start3A_12, %dma_start3A_13] : memref<32x16x128xi32, #tpu.memory_space<hbm>> -> memref<1x16x128xi32, #tpu.memory_space<hbm>>
      %dma_start3A_15 = tpu.memref_squeeze %dma_start3A_14 : memref<1x16x128xi32, #tpu.memory_space<hbm>> -> memref<16x128xi32, #tpu.memory_space<hbm>>
      tpu.enqueue_dma source(%dma_start3A_15 : memref<16x128xi32, #tpu.memory_space<hbm>>) target(%arg5 : memref<16x128xi32, #tpu.memory_space<vmem>>) target_semaphore(%run_scoped3A : memref<!tpu.dma_semaphore, #tpu.memory_space<semaphore_mem>>)
      %dma_wait3A = arith.constant 0 : i32
      %dma_wait3A_16 = arith.constant 0 : i32
      %dma_wait3A_17 = tpu.memref_slice %arg2[%add3A, %dma_wait3A, %dma_wait3A_16] : memref<32x16x128xi32, #tpu.memory_space<hbm>> -> memref<1x16x128xi32, #tpu.memory_space<hbm>>
      %dma_wait3A_18 = tpu.memref_squeeze %dma_wait3A_17 : memref<1x16x128xi32, #tpu.memory_space<hbm>> -> memref<16x128xi32, #tpu.memory_space<hbm>>
      %dma_wait3A_19 = arith.constant 0 : i32
      %dma_wait3A_20 = arith.constant 0 : i32
      %dma_wait3A_21 = tpu.memref_slice %arg2[%add3A, %dma_wait3A_19, %dma_wait3A_20] : memref<32x16x128xi32, #tpu.memory_space<hbm>> -> memref<1x16x128xi32, #tpu.memory_space<hbm>>
      %dma_wait3A_22 = tpu.memref_squeeze %dma_wait3A_21 : memref<1x16x128xi32, #tpu.memory_space<hbm>> -> memref<16x128xi32, #tpu.memory_space<hbm>>
      tpu.wait_dma2 semaphore(%run_scoped3A : memref<!tpu.dma_semaphore, #tpu.memory_space<semaphore_mem>>) src(%dma_wait3A_22 : memref<16x128xi32, #tpu.memory_space<hbm>>) dst(%arg5 : memref<16x128xi32, #tpu.memory_space<vmem>>)
      tpu.yield
    }) : () -> ()
    %mul3A_1 = arith.constant 2048 : i32
    %mul3A_2 = arith.muli %add3A, %mul3A_1 : i32
    %scan3A = arith.constant 0 : i32
    %scan3A_3 = arith.constant 0 : i32
    %scan3A_4 = arith.constant 16 : i32
    %scan3A_5 = arith.addi %scan3A_3, %scan3A_4 : i32
    %scan3A_6 = arith.constant 1 : i32
    %scan3A_7 = scf.for %scan3A_9 = %scan3A_3 to %scan3A_5 step %scan3A_6 iter_args(%scan3A_10 = %scan3A) -> (i32)  : i32 {
      %dma_start3A = arith.constant 0 : i32
      %dma_start3A_11 = tpu.memref_slice %arg5[%scan3A_9, %dma_start3A] : memref<16x128xi32, #tpu.memory_space<vmem>> -> memref<1x128xi32, #tpu.memory_space<vmem>>
      %dma_start3A_12 = tpu.memref_squeeze %dma_start3A_11 : memref<1x128xi32, #tpu.memory_space<vmem>> -> memref<128xi32, #tpu.memory_space<vmem>>
      %dma_start3A_13 = arith.constant 0 : i32
      %dma_start3A_14 = arith.constant 0 : i32
      %dma_start3A_15 = tpu.memref_slice %arg3[%dma_start3A_13, %dma_start3A_14] : memref<32768x32xf32, #tpu.memory_space<hbm>> -> memref<32768x32xf32, #tpu.memory_space<hbm>>
      tpu.enqueue_indirect_dma source(%dma_start3A_15 : memref<32768x32xf32, #tpu.memory_space<hbm>>) target(%arg6 : memref<128x32xf32, #tpu.memory_space<vmem>>) offsets(%dma_start3A_12 : memref<128xi32, #tpu.memory_space<vmem>>) semaphore(%arg7 : memref<!tpu.dma_semaphore, #tpu.memory_space<semaphore_mem>>)
      %dma_wait3A = arith.constant 0 : i32
      %dma_wait3A_16 = tpu.memref_slice %arg5[%scan3A_9, %dma_wait3A] : memref<16x128xi32, #tpu.memory_space<vmem>> -> memref<1x128xi32, #tpu.memory_space<vmem>>
      %dma_wait3A_17 = tpu.memref_squeeze %dma_wait3A_16 : memref<1x128xi32, #tpu.memory_space<vmem>> -> memref<128xi32, #tpu.memory_space<vmem>>
      %dma_wait3A_18 = arith.constant 0 : i32
      %dma_wait3A_19 = arith.constant 0 : i32
      %dma_wait3A_20 = tpu.memref_slice %arg3[%dma_wait3A_18, %dma_wait3A_19] : memref<32768x32xf32, #tpu.memory_space<hbm>> -> memref<32768x32xf32, #tpu.memory_space<hbm>>
      tpu.wait_indirect_dma semaphore(%arg7 : memref<!tpu.dma_semaphore, #tpu.memory_space<semaphore_mem>>) src(%dma_wait3A_20 : memref<32768x32xf32, #tpu.memory_space<hbm>>) dst(%arg6 : memref<128x32xf32, #tpu.memory_space<vmem>>)
      %mul3A_21 = arith.constant 128 : i32
      %mul3A_22 = arith.muli %scan3A_9, %mul3A_21 : i32
      %add3A_23 = arith.addi %mul3A_2, %mul3A_22 : i32
      "tpu.region"() ({
        %run_scoped3A = tpu.sem_alloc : memref<!tpu.dma_semaphore, #tpu.memory_space<semaphore_mem>>
        %dma_start3A_25 = arith.constant 0 : i32
        %dma_start3A_26 = tpu.memref_slice %arg4[%add3A_23, %dma_start3A_25] : memref<65536x32xf32, #tpu.memory_space<hbm>> -> memref<128x32xf32, #tpu.memory_space<hbm>>
        %dma_start3A_27 = arith.constant 0 : i32
        %dma_start3A_28 = tpu.memref_slice %arg4[%add3A_23, %dma_start3A_27] : memref<65536x32xf32, #tpu.memory_space<hbm>> -> memref<128x32xf32, #tpu.memory_space<hbm>>
        tpu.enqueue_dma source(%arg6 : memref<128x32xf32, #tpu.memory_space<vmem>>) target(%dma_start3A_28 : memref<128x32xf32, #tpu.memory_space<hbm>>) target_semaphore(%run_scoped3A : memref<!tpu.dma_semaphore, #tpu.memory_space<semaphore_mem>>)
        %dma_wait3A_29 = arith.constant 0 : i32
        %dma_wait3A_30 = tpu.memref_slice %arg4[%add3A_23, %dma_wait3A_29] : memref<65536x32xf32, #tpu.memory_space<hbm>> -> memref<128x32xf32, #tpu.memory_space<hbm>>
        %dma_wait3A_31 = arith.constant 0 : i32
        %dma_wait3A_32 = tpu.memref_slice %arg4[%add3A_23, %dma_wait3A_31] : memref<65536x32xf32, #tpu.memory_space<hbm>> -> memref<128x32xf32, #tpu.memory_space<hbm>>
        tpu.wait_dma2 semaphore(%run_scoped3A : memref<!tpu.dma_semaphore, #tpu.memory_space<semaphore_mem>>) src(%arg6 : memref<128x32xf32, #tpu.memory_space<vmem>>) dst(%dma_wait3A_32 : memref<128x32xf32, #tpu.memory_space<hbm>>)
        tpu.yield
      }) : () -> ()
      %scan3A_24 = arith.constant 0 : i32
      scf.yield %scan3A_24 : i32
    }
    %scan3A_8 = arith.constant 16 : i32
    return
  }
}

module attributes {stable_mosaic.version = 14 : i64} {
  func.func @_fps_kernel(%arg0: memref<3x4x8192xf32, #tpu.memory_space<vmem>>, %arg1: memref<4x3x512xf32, #tpu.memory_space<vmem>>) attributes {dimension_semantics = [], scalar_prefetch = 0 : i64, scratch_operands = 0 : i64, tpu.core_type = #tpu.core_type<tc>} {
    %get3A = arith.constant 0 : index
    %get3A_0 = arith.constant 0 : index
    %get3A_1 = arith.constant 0 : index
    %get3A_2 = vector.load %arg0[%get3A, %get3A_0, %get3A_1] : memref<3x4x8192xf32, #tpu.memory_space<vmem>>, vector<1x4x8192xf32>
    %get3A_3 = vector.shape_cast %get3A_2 : vector<1x4x8192xf32> to vector<4x8192xf32>
    %get3A_4 = arith.constant 1 : index
    %get3A_5 = arith.constant 0 : index
    %get3A_6 = arith.constant 0 : index
    %get3A_7 = vector.load %arg0[%get3A_4, %get3A_5, %get3A_6] : memref<3x4x8192xf32, #tpu.memory_space<vmem>>, vector<1x4x8192xf32>
    %get3A_8 = vector.shape_cast %get3A_7 : vector<1x4x8192xf32> to vector<4x8192xf32>
    %get3A_9 = arith.constant 2 : index
    %get3A_10 = arith.constant 0 : index
    %get3A_11 = arith.constant 0 : index
    %get3A_12 = vector.load %arg0[%get3A_9, %get3A_10, %get3A_11] : memref<3x4x8192xf32, #tpu.memory_space<vmem>>, vector<1x4x8192xf32>
    %get3A_13 = vector.shape_cast %get3A_12 : vector<1x4x8192xf32> to vector<4x8192xf32>
    %iota3A = tpu.iota {dimensions = array<i32: 1>} : vector<4x8192xi32>
    %iota3A_14 = tpu.iota {dimensions = array<i32: 1>} : vector<4x512xi32>
    %broadcast_in_dim3A = arith.constant 1.000000e+10 : f32
    %broadcast_in_dim3A_15 = vector.broadcast %broadcast_in_dim3A : f32 to vector<4x8192xf32>
    %broadcast_in_dim3A_16 = arith.constant 0 : i32
    %broadcast_in_dim3A_17 = vector.broadcast %broadcast_in_dim3A_16 : i32 to vector<4x1xi32>
    %broadcast_in_dim3A_18 = arith.constant 0.000000e+00 : f32
    %broadcast_in_dim3A_19 = vector.broadcast %broadcast_in_dim3A_18 : f32 to vector<4x512xf32>
    %broadcast_in_dim3A_20 = arith.constant 0.000000e+00 : f32
    %broadcast_in_dim3A_21 = vector.broadcast %broadcast_in_dim3A_20 : f32 to vector<4x512xf32>
    %broadcast_in_dim3A_22 = arith.constant 0.000000e+00 : f32
    %broadcast_in_dim3A_23 = vector.broadcast %broadcast_in_dim3A_22 : f32 to vector<4x512xf32>
    %scan3A = arith.constant 0 : i32
    %eq3A = vector.broadcast %broadcast_in_dim3A_17 : vector<4x1xi32> to vector<4x8192xi32>
    %eq3A_24 = arith.cmpi eq, %iota3A, %eq3A : vector<4x8192xi32>
    %jit3A = arith.constant 0.000000e+00 : f32
    %broadcast_in_dim3A_25 = vector.broadcast %jit3A : f32 to vector<4x8192xf32>
    %select_n3A = arith.select %eq3A_24, %get3A_3, %broadcast_in_dim3A_25 : vector<4x8192xi1>, vector<4x8192xf32>
    %reduce_sum3A = arith.constant dense<0.000000e+00> : vector<4xf32>
    %reduce_sum3A_26 = vector.multi_reduction <add>, %select_n3A, %reduce_sum3A [1] : vector<4x8192xf32> to vector<4xf32>
    %broadcast_in_dim3A_27 = vector.shape_cast %reduce_sum3A_26 : vector<4xf32> to vector<4x1xf32>
    %jit3A_28 = arith.constant 0.000000e+00 : f32
    %broadcast_in_dim3A_29 = vector.broadcast %jit3A_28 : f32 to vector<4x8192xf32>
    %select_n3A_30 = arith.select %eq3A_24, %get3A_8, %broadcast_in_dim3A_29 : vector<4x8192xi1>, vector<4x8192xf32>
    %reduce_sum3A_31 = arith.constant dense<0.000000e+00> : vector<4xf32>
    %reduce_sum3A_32 = vector.multi_reduction <add>, %select_n3A_30, %reduce_sum3A_31 [1] : vector<4x8192xf32> to vector<4xf32>
    %broadcast_in_dim3A_33 = vector.shape_cast %reduce_sum3A_32 : vector<4xf32> to vector<4x1xf32>
    %jit3A_34 = arith.constant 0.000000e+00 : f32
    %broadcast_in_dim3A_35 = vector.broadcast %jit3A_34 : f32 to vector<4x8192xf32>
    %select_n3A_36 = arith.select %eq3A_24, %get3A_13, %broadcast_in_dim3A_35 : vector<4x8192xi1>, vector<4x8192xf32>
    %reduce_sum3A_37 = arith.constant dense<0.000000e+00> : vector<4xf32>
    %reduce_sum3A_38 = vector.multi_reduction <add>, %select_n3A_36, %reduce_sum3A_37 [1] : vector<4x8192xf32> to vector<4xf32>
    %broadcast_in_dim3A_39 = vector.shape_cast %reduce_sum3A_38 : vector<4xf32> to vector<4x1xf32>
    %eq3A_40 = vector.broadcast %scan3A : i32 to vector<4x512xi32>
    %eq3A_41 = arith.cmpi eq, %iota3A_14, %eq3A_40 : vector<4x512xi32>
    %broadcast_in_dim3A_42 = vector.shape_cast %broadcast_in_dim3A_27 : vector<4x1xf32> to vector<4x1xf32>
    %broadcast_in_dim3A_43 = vector.broadcast %broadcast_in_dim3A_42 : vector<4x1xf32> to vector<4x512xf32>
    %select_n3A_44 = arith.select %eq3A_41, %broadcast_in_dim3A_43, %broadcast_in_dim3A_19 : vector<4x512xi1>, vector<4x512xf32>
    %broadcast_in_dim3A_45 = vector.shape_cast %broadcast_in_dim3A_33 : vector<4x1xf32> to vector<4x1xf32>
    %broadcast_in_dim3A_46 = vector.broadcast %broadcast_in_dim3A_45 : vector<4x1xf32> to vector<4x512xf32>
    %select_n3A_47 = arith.select %eq3A_41, %broadcast_in_dim3A_46, %broadcast_in_dim3A_21 : vector<4x512xi1>, vector<4x512xf32>
    %broadcast_in_dim3A_48 = vector.shape_cast %broadcast_in_dim3A_39 : vector<4x1xf32> to vector<4x1xf32>
    %broadcast_in_dim3A_49 = vector.broadcast %broadcast_in_dim3A_48 : vector<4x1xf32> to vector<4x512xf32>
    %select_n3A_50 = arith.select %eq3A_41, %broadcast_in_dim3A_49, %broadcast_in_dim3A_23 : vector<4x512xi1>, vector<4x512xf32>
    %sub3A = vector.broadcast %broadcast_in_dim3A_27 : vector<4x1xf32> to vector<4x8192xf32>
    %sub3A_51 = arith.subf %get3A_3, %sub3A : vector<4x8192xf32>
    %sub3A_52 = vector.broadcast %broadcast_in_dim3A_33 : vector<4x1xf32> to vector<4x8192xf32>
    %sub3A_53 = arith.subf %get3A_8, %sub3A_52 : vector<4x8192xf32>
    %sub3A_54 = vector.broadcast %broadcast_in_dim3A_39 : vector<4x1xf32> to vector<4x8192xf32>
    %sub3A_55 = arith.subf %get3A_13, %sub3A_54 : vector<4x8192xf32>
    %mul3A = arith.mulf %sub3A_51, %sub3A_51 : vector<4x8192xf32>
    %mul3A_56 = arith.mulf %sub3A_53, %sub3A_53 : vector<4x8192xf32>
    %add3A = arith.addf %mul3A, %mul3A_56 : vector<4x8192xf32>
    %mul3A_57 = arith.mulf %sub3A_55, %sub3A_55 : vector<4x8192xf32>
    %add3A_58 = arith.addf %add3A, %mul3A_57 : vector<4x8192xf32>
    %min3A = arith.minimumf %broadcast_in_dim3A_15, %add3A_58 : vector<4x8192xf32>
    %reduce_max3A = arith.constant dense<0xFF800000> : vector<4xf32>
    %reduce_max3A_59 = vector.multi_reduction <maximumf>, %min3A, %reduce_max3A [1] : vector<4x8192xf32> to vector<4xf32>
    %broadcast_in_dim3A_60 = vector.shape_cast %reduce_max3A_59 : vector<4xf32> to vector<4x1xf32>
    %eq3A_61 = vector.broadcast %broadcast_in_dim3A_60 : vector<4x1xf32> to vector<4x8192xf32>
    %eq3A_62 = arith.cmpf oeq, %min3A, %eq3A_61 : vector<4x8192xf32>
    %jit3A_63 = arith.constant 8192 : i32
    %broadcast_in_dim3A_64 = vector.broadcast %jit3A_63 : i32 to vector<4x8192xi32>
    %select_n3A_65 = arith.select %eq3A_62, %iota3A, %broadcast_in_dim3A_64 : vector<4x8192xi1>, vector<4x8192xi32>
    %reduce_min3A = arith.constant dense<2147483647> : vector<4xi32>
    %reduce_min3A_66 = vector.multi_reduction <minsi>, %select_n3A_65, %reduce_min3A [1] : vector<4x8192xi32> to vector<4xi32>
    %broadcast_in_dim3A_67 = vector.shape_cast %reduce_min3A_66 : vector<4xi32> to vector<4x1xi32>
    %scan3A_68 = arith.constant 1 : i32
    %swap3A = arith.constant 0 : index
    %swap3A_69 = arith.constant 0 : index
    %swap3A_70 = arith.constant 0 : index
    %swap3A_71 = vector.load %arg1[%swap3A, %swap3A_69, %swap3A_70] : memref<4x3x512xf32, #tpu.memory_space<vmem>>, vector<4x1x512xf32>
    %swap3A_72 = vector.shape_cast %swap3A_71 : vector<4x1x512xf32> to vector<4x512xf32>
    %swap3A_73 = vector.shape_cast %select_n3A_44 : vector<4x512xf32> to vector<4x1x512xf32>
    tpu.vector_store %arg1[%swap3A, %swap3A_69, %swap3A_70], %swap3A_73 {strides = array<i32>} : memref<4x3x512xf32, #tpu.memory_space<vmem>>, vector<4x1x512xf32>,
    %swap3A_74 = arith.constant 0 : index
    %swap3A_75 = arith.constant 1 : index
    %swap3A_76 = arith.constant 0 : index
    %swap3A_77 = vector.load %arg1[%swap3A_74, %swap3A_75, %swap3A_76] : memref<4x3x512xf32, #tpu.memory_space<vmem>>, vector<4x1x512xf32>
    %swap3A_78 = vector.shape_cast %swap3A_77 : vector<4x1x512xf32> to vector<4x512xf32>
    %swap3A_79 = vector.shape_cast %select_n3A_47 : vector<4x512xf32> to vector<4x1x512xf32>
    tpu.vector_store %arg1[%swap3A_74, %swap3A_75, %swap3A_76], %swap3A_79 {strides = array<i32>} : memref<4x3x512xf32, #tpu.memory_space<vmem>>, vector<4x1x512xf32>,
    %swap3A_80 = arith.constant 0 : index
    %swap3A_81 = arith.constant 2 : index
    %swap3A_82 = arith.constant 0 : index
    %swap3A_83 = vector.load %arg1[%swap3A_80, %swap3A_81, %swap3A_82] : memref<4x3x512xf32, #tpu.memory_space<vmem>>, vector<4x1x512xf32>
    %swap3A_84 = vector.shape_cast %swap3A_83 : vector<4x1x512xf32> to vector<4x512xf32>
    %swap3A_85 = vector.shape_cast %select_n3A_50 : vector<4x512xf32> to vector<4x1x512xf32>
    tpu.vector_store %arg1[%swap3A_80, %swap3A_81, %swap3A_82], %swap3A_85 {strides = array<i32>} : memref<4x3x512xf32, #tpu.memory_space<vmem>>, vector<4x1x512xf32>,
    return
  }
}

module attributes {stable_mosaic.version = 14 : i64} {
  func.func @_bq_kernel(%arg0: i32, %arg1: i32, %arg2: memref<1x8192x3xf32, #tpu.memory_space<vmem>>, %arg3: memref<1x3x128xf32, #tpu.memory_space<vmem>>, %arg4: memref<1x1x32x128xi32, #tpu.memory_space<vmem>>) attributes {dimension_semantics = [#tpu.dimension_semantics<parallel>, #tpu.dimension_semantics<parallel>], iteration_bounds = array<i64: 4, 4>, scalar_prefetch = 0 : i64, scratch_operands = 0 : i64, tpu.core_type = #tpu.core_type<tc>, window_params = [{transform_indices = @transform_0, window_bounds = array<i64: 1, 8192, 3>}, {transform_indices = @transform_1, window_bounds = array<i64: 1, 3, 128>}, {transform_indices = @transform_2, window_bounds = array<i64: 1, 1, 32, 128>}]} {
    %get3A = arith.constant 0 : index
    %get3A_0 = arith.constant 0 : index
    %get3A_1 = arith.constant 0 : index
    %get3A_2 = vector.load %arg2[%get3A, %get3A_0, %get3A_1] : memref<1x8192x3xf32, #tpu.memory_space<vmem>>, vector<1x8192x1xf32>
    %get3A_3 = vector.shape_cast %get3A_2 : vector<1x8192x1xf32> to vector<8192x1xf32>
    %get3A_4 = arith.constant 0 : index
    %get3A_5 = arith.constant 0 : index
    %get3A_6 = arith.constant 1 : index
    %get3A_7 = vector.load %arg2[%get3A_4, %get3A_5, %get3A_6] : memref<1x8192x3xf32, #tpu.memory_space<vmem>>, vector<1x8192x1xf32>
    %get3A_8 = vector.shape_cast %get3A_7 : vector<1x8192x1xf32> to vector<8192x1xf32>
    %get3A_9 = arith.constant 0 : index
    %get3A_10 = arith.constant 0 : index
    %get3A_11 = arith.constant 2 : index
    %get3A_12 = vector.load %arg2[%get3A_9, %get3A_10, %get3A_11] : memref<1x8192x3xf32, #tpu.memory_space<vmem>>, vector<1x8192x1xf32>
    %get3A_13 = vector.shape_cast %get3A_12 : vector<1x8192x1xf32> to vector<8192x1xf32>
    %get3A_14 = arith.constant 0 : index
    %get3A_15 = arith.constant 0 : index
    %get3A_16 = arith.constant 0 : index
    %get3A_17 = vector.load %arg3[%get3A_14, %get3A_15, %get3A_16] : memref<1x3x128xf32, #tpu.memory_space<vmem>>, vector<1x1x128xf32>
    %get3A_18 = vector.shape_cast %get3A_17 : vector<1x1x128xf32> to vector<1x128xf32>
    %get3A_19 = arith.constant 0 : index
    %get3A_20 = arith.constant 1 : index
    %get3A_21 = arith.constant 0 : index
    %get3A_22 = vector.load %arg3[%get3A_19, %get3A_20, %get3A_21] : memref<1x3x128xf32, #tpu.memory_space<vmem>>, vector<1x1x128xf32>
    %get3A_23 = vector.shape_cast %get3A_22 : vector<1x1x128xf32> to vector<1x128xf32>
    %get3A_24 = arith.constant 0 : index
    %get3A_25 = arith.constant 2 : index
    %get3A_26 = arith.constant 0 : index
    %get3A_27 = vector.load %arg3[%get3A_24, %get3A_25, %get3A_26] : memref<1x3x128xf32, #tpu.memory_space<vmem>>, vector<1x1x128xf32>
    %get3A_28 = vector.shape_cast %get3A_27 : vector<1x1x128xf32> to vector<1x128xf32>
    %mul3A = arith.mulf %get3A_3, %get3A_3 : vector<8192x1xf32>
    %mul3A_29 = arith.mulf %get3A_8, %get3A_8 : vector<8192x1xf32>
    %add3A = arith.addf %mul3A, %mul3A_29 : vector<8192x1xf32>
    %mul3A_30 = arith.mulf %get3A_13, %get3A_13 : vector<8192x1xf32>
    %add3A_31 = arith.addf %add3A, %mul3A_30 : vector<8192x1xf32>
    %mul3A_32 = arith.mulf %get3A_18, %get3A_18 : vector<1x128xf32>
    %mul3A_33 = arith.mulf %get3A_23, %get3A_23 : vector<1x128xf32>
    %add3A_34 = arith.addf %mul3A_32, %mul3A_33 : vector<1x128xf32>
    %mul3A_35 = arith.mulf %get3A_28, %get3A_28 : vector<1x128xf32>
    %add3A_36 = arith.addf %add3A_34, %mul3A_35 : vector<1x128xf32>
    %get3A_37 = arith.constant 0 : index
    %get3A_38 = arith.constant 0 : index
    %get3A_39 = arith.constant 0 : index
    %get3A_40 = vector.load %arg2[%get3A_37, %get3A_38, %get3A_39] : memref<1x8192x3xf32, #tpu.memory_space<vmem>>, vector<1x8192x3xf32>
    %get3A_41 = vector.shape_cast %get3A_40 : vector<1x8192x3xf32> to vector<8192x3xf32>
    %get3A_42 = arith.constant 0 : index
    %get3A_43 = arith.constant 0 : index
    %get3A_44 = arith.constant 0 : index
    %get3A_45 = vector.load %arg3[%get3A_42, %get3A_43, %get3A_44] : memref<1x3x128xf32, #tpu.memory_space<vmem>>, vector<1x3x128xf32>
    %get3A_46 = vector.shape_cast %get3A_45 : vector<1x3x128xf32> to vector<3x128xf32>
    %dot_general3A = arith.constant dense<0.000000e+00> : vector<8192x128xf32>
    %dot_general3A_47 = tpu.matmul %get3A_41, %get3A_46, %dot_general3A {dimension_numbers = #tpu.dot_dimension_numbers<[1], [0], [0], [1], [0, 0, 1, 1], [], []>, transpose_lhs_hint = false} : vector<8192x3xf32>, vector<3x128xf32>, vector<8192x128xf32> -> vector<8192x128xf32>
    %add3A_48 = vector.broadcast %add3A_36 : vector<1x128xf32> to vector<8192x128xf32>
    %add3A_49 = vector.broadcast %add3A_31 : vector<8192x1xf32> to vector<8192x128xf32>
    %add3A_50 = arith.addf %add3A_48, %add3A_49 : vector<8192x128xf32>
    %mul3A_51 = arith.constant 2.000000e+00 : f32
    %mul3A_52 = vector.broadcast %mul3A_51 : f32 to vector<8192x128xf32>
    %mul3A_53 = arith.mulf %mul3A_52, %dot_general3A_47 : vector<8192x128xf32>
    %sub3A = arith.subf %add3A_50, %mul3A_53 : vector<8192x128xf32>
    %max3A = arith.constant 0.000000e+00 : f32
    %max3A_54 = vector.broadcast %max3A : f32 to vector<8192x128xf32>
    %max3A_55 = arith.maximumf %sub3A, %max3A_54 : vector<8192x128xf32>
    %sqrt3A = math.sqrt %max3A_55 : vector<8192x128xf32>
    %iota3A = tpu.iota {dimensions = array<i32: 0>} : vector<8192x128xi32>
    %mul3A_56 = arith.constant 8192 : i32
    %mul3A_57 = arith.muli %arg0, %mul3A_56 : i32
    %scan3A = arith.constant 0 : i32
    %scan3A_58 = arith.constant 32 : i32
    %scan3A_59 = arith.addi %scan3A, %scan3A_58 : i32
    %scan3A_60 = arith.constant 1 : i32
    %scan3A_61 = scf.for %scan3A_63 = %scan3A to %scan3A_59 step %scan3A_60 iter_args(%scan3A_64 = %sqrt3A) -> (vector<8192x128xf32>)  : i32 {
      %reduce_min3A = arith.constant dense<0x7F800000> : vector<128xf32>
      %reduce_min3A_65 = vector.multi_reduction <minimumf>, %scan3A_64, %reduce_min3A [0] : vector<8192x128xf32> to vector<128xf32>
      %broadcast_in_dim3A = vector.shape_cast %reduce_min3A_65 : vector<128xf32> to vector<1x128xf32>
      %eq3A = vector.broadcast %broadcast_in_dim3A : vector<1x128xf32> to vector<8192x128xf32>
      %eq3A_66 = arith.cmpf oeq, %scan3A_64, %eq3A : vector<8192x128xf32>
      %jit3A = arith.constant 8192 : i32
      %broadcast_in_dim3A_67 = vector.broadcast %jit3A : i32 to vector<8192x128xi32>
      %select_n3A = arith.select %eq3A_66, %iota3A, %broadcast_in_dim3A_67 : vector<8192x128xi1>, vector<8192x128xi32>
      %reduce_min3A_68 = arith.constant dense<2147483647> : vector<128xi32>
      %reduce_min3A_69 = vector.multi_reduction <minsi>, %select_n3A, %reduce_min3A_68 [0] : vector<8192x128xi32> to vector<128xi32>
      %broadcast_in_dim3A_70 = vector.shape_cast %reduce_min3A_69 : vector<128xi32> to vector<1x128xi32>
      %gt3A = arith.constant 2.000000e-01 : f32
      %gt3A_71 = vector.broadcast %gt3A : f32 to vector<1x128xf32>
      %gt3A_72 = arith.cmpf ogt, %broadcast_in_dim3A, %gt3A_71 : vector<1x128xf32>
      %jit3A_73 = arith.constant 0 : i32
      %broadcast_in_dim3A_74 = vector.broadcast %jit3A_73 : i32 to vector<1x128xi32>
      %select_n3A_75 = arith.select %gt3A_72, %broadcast_in_dim3A_74, %broadcast_in_dim3A_70 : vector<1x128xi1>, vector<1x128xi32>
      %add3A_76 = vector.broadcast %mul3A_57 : i32 to vector<1x128xi32>
      %add3A_77 = arith.addi %select_n3A_75, %add3A_76 : vector<1x128xi32>
      %swap3A = arith.constant 0 : index
      %swap3A_78 = arith.constant 0 : index
      %swap3A_79 = arith.index_cast %scan3A_63 : i32 to index
      %swap3A_80 = arith.constant 0 : index
      %swap3A_81 = vector.load %arg4[%swap3A, %swap3A_78, %swap3A_79, %swap3A_80] : memref<1x1x32x128xi32, #tpu.memory_space<vmem>>, vector<1x1x1x128xi32>
      %swap3A_82 = vector.shape_cast %swap3A_81 : vector<1x1x1x128xi32> to vector<1x128xi32>
      %swap3A_83 = vector.shape_cast %add3A_77 : vector<1x128xi32> to vector<1x1x1x128xi32>
      tpu.vector_store %arg4[%swap3A, %swap3A_78, %swap3A_79, %swap3A_80], %swap3A_83 {strides = array<i32>} : memref<1x1x32x128xi32, #tpu.memory_space<vmem>>, vector<1x1x1x128xi32>,
      %eq3A_84 = vector.broadcast %broadcast_in_dim3A_70 : vector<1x128xi32> to vector<8192x128xi32>
      %eq3A_85 = arith.cmpi eq, %iota3A, %eq3A_84 : vector<8192x128xi32>
      %jit3A_86 = arith.constant 0x7F800000 : f32
      %broadcast_in_dim3A_87 = vector.broadcast %jit3A_86 : f32 to vector<8192x128xf32>
      %select_n3A_88 = arith.select %eq3A_85, %broadcast_in_dim3A_87, %scan3A_64 : vector<8192x128xi1>, vector<8192x128xf32>
      scf.yield %select_n3A_88 : vector<8192x128xf32>
    }
    %scan3A_62 = arith.constant 32 : i32
    return
  }
  func.func @transform_0(%arg0: i32, %arg1: i32) -> (i32, i32, i32) {
    %c0_i32 = arith.constant 0 : i32
    %c0_i32_0 = arith.constant 0 : i32
    %c0_i32_1 = arith.constant 0 : i32
    return %arg0, %c0_i32, %c0_i32_0 : i32, i32, i32
  }
  func.func @transform_1(%arg0: i32, %arg1: i32) -> (i32, i32, i32) {
    %c0_i32 = arith.constant 0 : i32
    %c0_i32_0 = arith.constant 0 : i32
    return %arg0, %c0_i32, %arg1 : i32, i32, i32
  }
  func.func @transform_2(%arg0: i32, %arg1: i32) -> (i32, i32, i32, i32) {
    %c0_i32 = arith.constant 0 : i32
    %c0_i32_0 = arith.constant 0 : i32
    %c0_i32_1 = arith.constant 0 : i32
    return %arg0, %arg1, %c0_i32, %c0_i32_0 : i32, i32, i32, i32
  }
}

module attributes {stable_mosaic.version = 14 : i64} {
  func.func @_stats1_kernel(%arg0: i32, %arg1: i32, %arg2: memref<1x4096x32xf32, #tpu.memory_space<vmem>>, %arg3: memref<1x4096x3xf32, #tpu.memory_space<vmem>>, %arg4: memref<32x64xf32, #tpu.memory_space<vmem>>, %arg5: memref<1x64xf32, #tpu.memory_space<vmem>>, %arg6: memref<1x1x2x64xf32, #tpu.memory_space<vmem>>) attributes {dimension_semantics = [#tpu.dimension_semantics<parallel>, #tpu.dimension_semantics<parallel>], iteration_bounds = array<i64: 4, 4>, scalar_prefetch = 0 : i64, scratch_operands = 0 : i64, tpu.core_type = #tpu.core_type<tc>, window_params = [{transform_indices = @transform_0, window_bounds = array<i64: 1, 4096, 32>}, {transform_indices = @transform_1, window_bounds = array<i64: 1, 4096, 3>}, {pipeline_mode = #tpu.pipeline_mode<synchronous>, transform_indices = @transform_2, window_bounds = array<i64: 32, 64>}, {pipeline_mode = #tpu.pipeline_mode<synchronous>, transform_indices = @transform_3, window_bounds = array<i64: 1, 64>}, {transform_indices = @transform_4, window_bounds = array<i64: 1, 1, 2, 64>}]} {
    %get3A = arith.constant 0 : index
    %get3A_0 = arith.constant 0 : index
    %get3A_1 = arith.constant 0 : index
    %get3A_2 = vector.load %arg2[%get3A, %get3A_0, %get3A_1] : memref<1x4096x32xf32, #tpu.memory_space<vmem>>, vector<1x4096x32xf32>
    %get3A_3 = vector.shape_cast %get3A_2 : vector<1x4096x32xf32> to vector<4096x32xf32>
    %get3A_4 = arith.constant 0 : index
    %get3A_5 = arith.constant 0 : index
    %get3A_6 = arith.constant 0 : index
    %get3A_7 = vector.load %arg3[%get3A_4, %get3A_5, %get3A_6] : memref<1x4096x3xf32, #tpu.memory_space<vmem>>, vector<1x4096x3xf32>
    %get3A_8 = vector.shape_cast %get3A_7 : vector<1x4096x3xf32> to vector<4096x3xf32>
    %get3A_9 = arith.constant 0 : index
    %get3A_10 = arith.constant 0 : index
    %get3A_11 = vector.load %arg4[%get3A_9, %get3A_10] : memref<32x64xf32, #tpu.memory_space<vmem>>, vector<32x64xf32>
    %dot_general3A = arith.constant dense<0.000000e+00> : vector<4096x64xf32>
    %dot_general3A_12 = tpu.matmul %get3A_3, %get3A_11, %dot_general3A {dimension_numbers = #tpu.dot_dimension_numbers<[1], [0], [0], [1], [0, 0, 1, 1], [], []>, precision = #tpu.contract_precision<fp32>, transpose_lhs_hint = false} : vector<4096x32xf32>, vector<32x64xf32>, vector<4096x64xf32> -> vector<4096x64xf32>
    %slice3A = vector.extract_strided_slice %get3A_11 {offsets = [0, 0], sizes = [3, 64], strides = [1, 1]} : vector<32x64xf32> to vector<3x64xf32>
    %dot_general3A_13 = arith.constant dense<0.000000e+00> : vector<4096x64xf32>
    %dot_general3A_14 = tpu.matmul %get3A_8, %slice3A, %dot_general3A_13 {dimension_numbers = #tpu.dot_dimension_numbers<[1], [0], [0], [1], [0, 0, 1, 1], [], []>, precision = #tpu.contract_precision<fp32>, transpose_lhs_hint = false} : vector<4096x3xf32>, vector<3x64xf32>, vector<4096x64xf32> -> vector<4096x64xf32>
    %sub3A = arith.subf %dot_general3A_12, %dot_general3A_14 : vector<4096x64xf32>
    %get3A_15 = arith.constant 0 : index
    %get3A_16 = arith.constant 0 : index
    %get3A_17 = vector.load %arg5[%get3A_15, %get3A_16] : memref<1x64xf32, #tpu.memory_space<vmem>>, vector<1x64xf32>
    %add3A = vector.broadcast %get3A_17 : vector<1x64xf32> to vector<4096x64xf32>
    %add3A_18 = arith.addf %sub3A, %add3A : vector<4096x64xf32>
    %reduce_sum3A = arith.constant dense<0.000000e+00> : vector<64xf32>
    %reduce_sum3A_19 = vector.multi_reduction <add>, %add3A_18, %reduce_sum3A [0] : vector<4096x64xf32> to vector<64xf32>
    %broadcast_in_dim3A = vector.shape_cast %reduce_sum3A_19 : vector<64xf32> to vector<1x64xf32>
    %mul3A = arith.mulf %add3A_18, %add3A_18 : vector<4096x64xf32>
    %reduce_sum3A_20 = arith.constant dense<0.000000e+00> : vector<64xf32>
    %reduce_sum3A_21 = vector.multi_reduction <add>, %mul3A, %reduce_sum3A_20 [0] : vector<4096x64xf32> to vector<64xf32>
    %broadcast_in_dim3A_22 = vector.shape_cast %reduce_sum3A_21 : vector<64xf32> to vector<1x64xf32>
    %concatenate3A = tpu.concatenate %broadcast_in_dim3A, %broadcast_in_dim3A_22 in 0 : vector<1x64xf32>, vector<1x64xf32> -> vector<2x64xf32>
    %swap3A = arith.constant 0 : index
    %swap3A_23 = arith.constant 0 : index
    %swap3A_24 = arith.constant 0 : index
    %swap3A_25 = arith.constant 0 : index
    %swap3A_26 = vector.load %arg6[%swap3A, %swap3A_23, %swap3A_24, %swap3A_25] : memref<1x1x2x64xf32, #tpu.memory_space<vmem>>, vector<1x1x2x64xf32>
    %swap3A_27 = vector.shape_cast %swap3A_26 : vector<1x1x2x64xf32> to vector<2x64xf32>
    %swap3A_28 = vector.shape_cast %concatenate3A : vector<2x64xf32> to vector<1x1x2x64xf32>
    tpu.vector_store %arg6[%swap3A, %swap3A_23, %swap3A_24, %swap3A_25], %swap3A_28 {strides = array<i32>} : memref<1x1x2x64xf32, #tpu.memory_space<vmem>>, vector<1x1x2x64xf32>,
    return
  }
  func.func @transform_0(%arg0: i32, %arg1: i32) -> (i32, i32, i32) {
    %c0_i32 = arith.constant 0 : i32
    %c0_i32_0 = arith.constant 0 : i32
    return %arg0, %arg1, %c0_i32 : i32, i32, i32
  }
  func.func @transform_1(%arg0: i32, %arg1: i32) -> (i32, i32, i32) {
    %c0_i32 = arith.constant 0 : i32
    %c0_i32_0 = arith.constant 0 : i32
    return %arg0, %arg1, %c0_i32 : i32, i32, i32
  }
  func.func @transform_2(%arg0: i32, %arg1: i32) -> (i32, i32) {
    %c0_i32 = arith.constant 0 : i32
    %c0_i32_0 = arith.constant 0 : i32
    %c0_i32_1 = arith.constant 0 : i32
    return %c0_i32, %c0_i32_0 : i32, i32
  }
  func.func @transform_3(%arg0: i32, %arg1: i32) -> (i32, i32) {
    %c0_i32 = arith.constant 0 : i32
    %c0_i32_0 = arith.constant 0 : i32
    %c0_i32_1 = arith.constant 0 : i32
    return %c0_i32, %c0_i32_0 : i32, i32
  }
  func.func @transform_4(%arg0: i32, %arg1: i32) -> (i32, i32, i32, i32) {
    %c0_i32 = arith.constant 0 : i32
    %c0_i32_0 = arith.constant 0 : i32
    %c0_i32_1 = arith.constant 0 : i32
    return %arg0, %arg1, %c0_i32, %c0_i32_0 : i32, i32, i32, i32
  }
}

module attributes {stable_mosaic.version = 14 : i64} {
  func.func @_stats2_kernel(%arg0: i32, %arg1: i32, %arg2: memref<1x4096x32xf32, #tpu.memory_space<vmem>>, %arg3: memref<1x4096x3xf32, #tpu.memory_space<vmem>>, %arg4: memref<32x64xf32, #tpu.memory_space<vmem>>, %arg5: memref<1x64xf32, #tpu.memory_space<vmem>>, %arg6: memref<1x64xf32, #tpu.memory_space<vmem>>, %arg7: memref<1x64xf32, #tpu.memory_space<vmem>>, %arg8: memref<64x64xf32, #tpu.memory_space<vmem>>, %arg9: memref<1x64xf32, #tpu.memory_space<vmem>>, %arg10: memref<1x1x2x64xf32, #tpu.memory_space<vmem>>) attributes {dimension_semantics = [#tpu.dimension_semantics<parallel>, #tpu.dimension_semantics<parallel>], iteration_bounds = array<i64: 4, 4>, scalar_prefetch = 0 : i64, scratch_operands = 0 : i64, tpu.core_type = #tpu.core_type<tc>, window_params = [{transform_indices = @transform_0, window_bounds = array<i64: 1, 4096, 32>}, {transform_indices = @transform_1, window_bounds = array<i64: 1, 4096, 3>}, {pipeline_mode = #tpu.pipeline_mode<synchronous>, transform_indices = @transform_2, window_bounds = array<i64: 32, 64>}, {pipeline_mode = #tpu.pipeline_mode<synchronous>, transform_indices = @transform_3, window_bounds = array<i64: 1, 64>}, {pipeline_mode = #tpu.pipeline_mode<synchronous>, transform_indices = @transform_4, window_bounds = array<i64: 1, 64>}, {pipeline_mode = #tpu.pipeline_mode<synchronous>, transform_indices = @transform_5, window_bounds = array<i64: 1, 64>}, {pipeline_mode = #tpu.pipeline_mode<synchronous>, transform_indices = @transform_6, window_bounds = array<i64: 64, 64>}, {pipeline_mode = #tpu.pipeline_mode<synchronous>, transform_indices = @transform_7, window_bounds = array<i64: 1, 64>}, {transform_indices = @transform_8, window_bounds = array<i64: 1, 1, 2, 64>}]} {
    %get3A = arith.constant 0 : index
    %get3A_0 = arith.constant 0 : index
    %get3A_1 = arith.constant 0 : index
    %get3A_2 = vector.load %arg2[%get3A, %get3A_0, %get3A_1] : memref<1x4096x32xf32, #tpu.memory_space<vmem>>, vector<1x4096x32xf32>
    %get3A_3 = vector.shape_cast %get3A_2 : vector<1x4096x32xf32> to vector<4096x32xf32>
    %get3A_4 = arith.constant 0 : index
    %get3A_5 = arith.constant 0 : index
    %get3A_6 = arith.constant 0 : index
    %get3A_7 = vector.load %arg3[%get3A_4, %get3A_5, %get3A_6] : memref<1x4096x3xf32, #tpu.memory_space<vmem>>, vector<1x4096x3xf32>
    %get3A_8 = vector.shape_cast %get3A_7 : vector<1x4096x3xf32> to vector<4096x3xf32>
    %get3A_9 = arith.constant 0 : index
    %get3A_10 = arith.constant 0 : index
    %get3A_11 = vector.load %arg4[%get3A_9, %get3A_10] : memref<32x64xf32, #tpu.memory_space<vmem>>, vector<32x64xf32>
    %dot_general3A = arith.constant dense<0.000000e+00> : vector<4096x64xf32>
    %dot_general3A_12 = tpu.matmul %get3A_3, %get3A_11, %dot_general3A {dimension_numbers = #tpu.dot_dimension_numbers<[1], [0], [0], [1], [0, 0, 1, 1], [], []>, precision = #tpu.contract_precision<fp32>, transpose_lhs_hint = false} : vector<4096x32xf32>, vector<32x64xf32>, vector<4096x64xf32> -> vector<4096x64xf32>
    %slice3A = vector.extract_strided_slice %get3A_11 {offsets = [0, 0], sizes = [3, 64], strides = [1, 1]} : vector<32x64xf32> to vector<3x64xf32>
    %dot_general3A_13 = arith.constant dense<0.000000e+00> : vector<4096x64xf32>
    %dot_general3A_14 = tpu.matmul %get3A_8, %slice3A, %dot_general3A_13 {dimension_numbers = #tpu.dot_dimension_numbers<[1], [0], [0], [1], [0, 0, 1, 1], [], []>, precision = #tpu.contract_precision<fp32>, transpose_lhs_hint = false} : vector<4096x3xf32>, vector<3x64xf32>, vector<4096x64xf32> -> vector<4096x64xf32>
    %sub3A = arith.subf %dot_general3A_12, %dot_general3A_14 : vector<4096x64xf32>
    %get3A_15 = arith.constant 0 : index
    %get3A_16 = arith.constant 0 : index
    %get3A_17 = vector.load %arg5[%get3A_15, %get3A_16] : memref<1x64xf32, #tpu.memory_space<vmem>>, vector<1x64xf32>
    %add3A = vector.broadcast %get3A_17 : vector<1x64xf32> to vector<4096x64xf32>
    %add3A_18 = arith.addf %sub3A, %add3A : vector<4096x64xf32>
    %get3A_19 = arith.constant 0 : index
    %get3A_20 = arith.constant 0 : index
    %get3A_21 = vector.load %arg6[%get3A_19, %get3A_20] : memref<1x64xf32, #tpu.memory_space<vmem>>, vector<1x64xf32>
    %mul3A = vector.broadcast %get3A_21 : vector<1x64xf32> to vector<4096x64xf32>
    %mul3A_22 = arith.mulf %add3A_18, %mul3A : vector<4096x64xf32>
    %get3A_23 = arith.constant 0 : index
    %get3A_24 = arith.constant 0 : index
    %get3A_25 = vector.load %arg7[%get3A_23, %get3A_24] : memref<1x64xf32, #tpu.memory_space<vmem>>, vector<1x64xf32>
    %add3A_26 = vector.broadcast %get3A_25 : vector<1x64xf32> to vector<4096x64xf32>
    %add3A_27 = arith.addf %mul3A_22, %add3A_26 : vector<4096x64xf32>
    %max3A = arith.constant 0.000000e+00 : f32
    %max3A_28 = vector.broadcast %max3A : f32 to vector<4096x64xf32>
    %max3A_29 = arith.maximumf %add3A_27, %max3A_28 : vector<4096x64xf32>
    %get3A_30 = arith.constant 0 : index
    %get3A_31 = arith.constant 0 : index
    %get3A_32 = vector.load %arg8[%get3A_30, %get3A_31] : memref<64x64xf32, #tpu.memory_space<vmem>>, vector<64x64xf32>
    %dot_general3A_33 = arith.constant dense<0.000000e+00> : vector<4096x64xf32>
    %dot_general3A_34 = tpu.matmul %max3A_29, %get3A_32, %dot_general3A_33 {dimension_numbers = #tpu.dot_dimension_numbers<[1], [0], [0], [1], [0, 0, 1, 1], [], []>, precision = #tpu.contract_precision<fp32>, transpose_lhs_hint = false} : vector<4096x64xf32>, vector<64x64xf32>, vector<4096x64xf32> -> vector<4096x64xf32>
    %get3A_35 = arith.constant 0 : index
    %get3A_36 = arith.constant 0 : index
    %get3A_37 = vector.load %arg9[%get3A_35, %get3A_36] : memref<1x64xf32, #tpu.memory_space<vmem>>, vector<1x64xf32>
    %add3A_38 = vector.broadcast %get3A_37 : vector<1x64xf32> to vector<4096x64xf32>
    %add3A_39 = arith.addf %dot_general3A_34, %add3A_38 : vector<4096x64xf32>
    %reduce_sum3A = arith.constant dense<0.000000e+00> : vector<64xf32>
    %reduce_sum3A_40 = vector.multi_reduction <add>, %add3A_39, %reduce_sum3A [0] : vector<4096x64xf32> to vector<64xf32>
    %broadcast_in_dim3A = vector.shape_cast %reduce_sum3A_40 : vector<64xf32> to vector<1x64xf32>
    %mul3A_41 = arith.mulf %add3A_39, %add3A_39 : vector<4096x64xf32>
    %reduce_sum3A_42 = arith.constant dense<0.000000e+00> : vector<64xf32>
    %reduce_sum3A_43 = vector.multi_reduction <add>, %mul3A_41, %reduce_sum3A_42 [0] : vector<4096x64xf32> to vector<64xf32>
    %broadcast_in_dim3A_44 = vector.shape_cast %reduce_sum3A_43 : vector<64xf32> to vector<1x64xf32>
    %concatenate3A = tpu.concatenate %broadcast_in_dim3A, %broadcast_in_dim3A_44 in 0 : vector<1x64xf32>, vector<1x64xf32> -> vector<2x64xf32>
    %swap3A = arith.constant 0 : index
    %swap3A_45 = arith.constant 0 : index
    %swap3A_46 = arith.constant 0 : index
    %swap3A_47 = arith.constant 0 : index
    %swap3A_48 = vector.load %arg10[%swap3A, %swap3A_45, %swap3A_46, %swap3A_47] : memref<1x1x2x64xf32, #tpu.memory_space<vmem>>, vector<1x1x2x64xf32>
    %swap3A_49 = vector.shape_cast %swap3A_48 : vector<1x1x2x64xf32> to vector<2x64xf32>
    %swap3A_50 = vector.shape_cast %concatenate3A : vector<2x64xf32> to vector<1x1x2x64xf32>
    tpu.vector_store %arg10[%swap3A, %swap3A_45, %swap3A_46, %swap3A_47], %swap3A_50 {strides = array<i32>} : memref<1x1x2x64xf32, #tpu.memory_space<vmem>>, vector<1x1x2x64xf32>,
    return
  }
  func.func @transform_0(%arg0: i32, %arg1: i32) -> (i32, i32, i32) {
    %c0_i32 = arith.constant 0 : i32
    %c0_i32_0 = arith.constant 0 : i32
    return %arg0, %arg1, %c0_i32 : i32, i32, i32
  }
  func.func @transform_1(%arg0: i32, %arg1: i32) -> (i32, i32, i32) {
    %c0_i32 = arith.constant 0 : i32
    %c0_i32_0 = arith.constant 0 : i32
    return %arg0, %arg1, %c0_i32 : i32, i32, i32
  }
  func.func @transform_2(%arg0: i32, %arg1: i32) -> (i32, i32) {
    %c0_i32 = arith.constant 0 : i32
    %c0_i32_0 = arith.constant 0 : i32
    %c0_i32_1 = arith.constant 0 : i32
    return %c0_i32, %c0_i32_0 : i32, i32
  }
  func.func @transform_3(%arg0: i32, %arg1: i32) -> (i32, i32) {
    %c0_i32 = arith.constant 0 : i32
    %c0_i32_0 = arith.constant 0 : i32
    %c0_i32_1 = arith.constant 0 : i32
    return %c0_i32, %c0_i32_0 : i32, i32
  }
  func.func @transform_4(%arg0: i32, %arg1: i32) -> (i32, i32) {
    %c0_i32 = arith.constant 0 : i32
    %c0_i32_0 = arith.constant 0 : i32
    %c0_i32_1 = arith.constant 0 : i32
    return %c0_i32, %c0_i32_0 : i32, i32
  }
  func.func @transform_5(%arg0: i32, %arg1: i32) -> (i32, i32) {
    %c0_i32 = arith.constant 0 : i32
    %c0_i32_0 = arith.constant 0 : i32
    %c0_i32_1 = arith.constant 0 : i32
    return %c0_i32, %c0_i32_0 : i32, i32
  }
  func.func @transform_6(%arg0: i32, %arg1: i32) -> (i32, i32) {
    %c0_i32 = arith.constant 0 : i32
    %c0_i32_0 = arith.constant 0 : i32
    %c0_i32_1 = arith.constant 0 : i32
    return %c0_i32, %c0_i32_0 : i32, i32
  }
  func.func @transform_7(%arg0: i32, %arg1: i32) -> (i32, i32) {
    %c0_i32 = arith.constant 0 : i32
    %c0_i32_0 = arith.constant 0 : i32
    %c0_i32_1 = arith.constant 0 : i32
    return %c0_i32, %c0_i32_0 : i32, i32
  }
  func.func @transform_8(%arg0: i32, %arg1: i32) -> (i32, i32, i32, i32) {
    %c0_i32 = arith.constant 0 : i32
    %c0_i32_0 = arith.constant 0 : i32
    %c0_i32_1 = arith.constant 0 : i32
    return %arg0, %arg1, %c0_i32, %c0_i32_0 : i32, i32, i32, i32
  }
}

module attributes {stable_mosaic.version = 14 : i64} {
  func.func @_final_kernel(%arg0: i32, %arg1: i32, %arg2: memref<1x4096x32xf32, #tpu.memory_space<vmem>>, %arg3: memref<1x4096x3xf32, #tpu.memory_space<vmem>>, %arg4: memref<32x64xf32, #tpu.memory_space<vmem>>, %arg5: memref<1x64xf32, #tpu.memory_space<vmem>>, %arg6: memref<1x64xf32, #tpu.memory_space<vmem>>, %arg7: memref<1x64xf32, #tpu.memory_space<vmem>>, %arg8: memref<64x64xf32, #tpu.memory_space<vmem>>, %arg9: memref<1x64xf32, #tpu.memory_space<vmem>>, %arg10: memref<1x64xf32, #tpu.memory_space<vmem>>, %arg11: memref<1x64xf32, #tpu.memory_space<vmem>>, %arg12: memref<1x128x64xf32, #tpu.memory_space<vmem>>) attributes {dimension_semantics = [#tpu.dimension_semantics<parallel>, #tpu.dimension_semantics<parallel>], iteration_bounds = array<i64: 4, 4>, scalar_prefetch = 0 : i64, scratch_operands = 0 : i64, tpu.core_type = #tpu.core_type<tc>, window_params = [{transform_indices = @transform_0, window_bounds = array<i64: 1, 4096, 32>}, {transform_indices = @transform_1, window_bounds = array<i64: 1, 4096, 3>}, {pipeline_mode = #tpu.pipeline_mode<synchronous>, transform_indices = @transform_2, window_bounds = array<i64: 32, 64>}, {pipeline_mode = #tpu.pipeline_mode<synchronous>, transform_indices = @transform_3, window_bounds = array<i64: 1, 64>}, {pipeline_mode = #tpu.pipeline_mode<synchronous>, transform_indices = @transform_4, window_bounds = array<i64: 1, 64>}, {pipeline_mode = #tpu.pipeline_mode<synchronous>, transform_indices = @transform_5, window_bounds = array<i64: 1, 64>}, {pipeline_mode = #tpu.pipeline_mode<synchronous>, transform_indices = @transform_6, window_bounds = array<i64: 64, 64>}, {pipeline_mode = #tpu.pipeline_mode<synchronous>, transform_indices = @transform_7, window_bounds = array<i64: 1, 64>}, {pipeline_mode = #tpu.pipeline_mode<synchronous>, transform_indices = @transform_8, window_bounds = array<i64: 1, 64>}, {pipeline_mode = #tpu.pipeline_mode<synchronous>, transform_indices = @transform_9, window_bounds = array<i64: 1, 64>}, {transform_indices = @transform_10, window_bounds = array<i64: 1, 128, 64>}]} {
    %get3A = arith.constant 0 : index
    %get3A_0 = arith.constant 0 : index
    %get3A_1 = arith.constant 0 : index
    %get3A_2 = vector.load %arg2[%get3A, %get3A_0, %get3A_1] : memref<1x4096x32xf32, #tpu.memory_space<vmem>>, vector<1x4096x32xf32>
    %get3A_3 = vector.shape_cast %get3A_2 : vector<1x4096x32xf32> to vector<4096x32xf32>
    %get3A_4 = arith.constant 0 : index
    %get3A_5 = arith.constant 0 : index
    %get3A_6 = arith.constant 0 : index
    %get3A_7 = vector.load %arg3[%get3A_4, %get3A_5, %get3A_6] : memref<1x4096x3xf32, #tpu.memory_space<vmem>>, vector<1x4096x3xf32>
    %get3A_8 = vector.shape_cast %get3A_7 : vector<1x4096x3xf32> to vector<4096x3xf32>
    %get3A_9 = arith.constant 0 : index
    %get3A_10 = arith.constant 0 : index
    %get3A_11 = vector.load %arg4[%get3A_9, %get3A_10] : memref<32x64xf32, #tpu.memory_space<vmem>>, vector<32x64xf32>
    %dot_general3A = arith.constant dense<0.000000e+00> : vector<4096x64xf32>
    %dot_general3A_12 = tpu.matmul %get3A_3, %get3A_11, %dot_general3A {dimension_numbers = #tpu.dot_dimension_numbers<[1], [0], [0], [1], [0, 0, 1, 1], [], []>, precision = #tpu.contract_precision<fp32>, transpose_lhs_hint = false} : vector<4096x32xf32>, vector<32x64xf32>, vector<4096x64xf32> -> vector<4096x64xf32>
    %slice3A = vector.extract_strided_slice %get3A_11 {offsets = [0, 0], sizes = [3, 64], strides = [1, 1]} : vector<32x64xf32> to vector<3x64xf32>
    %dot_general3A_13 = arith.constant dense<0.000000e+00> : vector<4096x64xf32>
    %dot_general3A_14 = tpu.matmul %get3A_8, %slice3A, %dot_general3A_13 {dimension_numbers = #tpu.dot_dimension_numbers<[1], [0], [0], [1], [0, 0, 1, 1], [], []>, precision = #tpu.contract_precision<fp32>, transpose_lhs_hint = false} : vector<4096x3xf32>, vector<3x64xf32>, vector<4096x64xf32> -> vector<4096x64xf32>
    %sub3A = arith.subf %dot_general3A_12, %dot_general3A_14 : vector<4096x64xf32>
    %get3A_15 = arith.constant 0 : index
    %get3A_16 = arith.constant 0 : index
    %get3A_17 = vector.load %arg5[%get3A_15, %get3A_16] : memref<1x64xf32, #tpu.memory_space<vmem>>, vector<1x64xf32>
    %add3A = vector.broadcast %get3A_17 : vector<1x64xf32> to vector<4096x64xf32>
    %add3A_18 = arith.addf %sub3A, %add3A : vector<4096x64xf32>
    %get3A_19 = arith.constant 0 : index
    %get3A_20 = arith.constant 0 : index
    %get3A_21 = vector.load %arg6[%get3A_19, %get3A_20] : memref<1x64xf32, #tpu.memory_space<vmem>>, vector<1x64xf32>
    %mul3A = vector.broadcast %get3A_21 : vector<1x64xf32> to vector<4096x64xf32>
    %mul3A_22 = arith.mulf %add3A_18, %mul3A : vector<4096x64xf32>
    %get3A_23 = arith.constant 0 : index
    %get3A_24 = arith.constant 0 : index
    %get3A_25 = vector.load %arg7[%get3A_23, %get3A_24] : memref<1x64xf32, #tpu.memory_space<vmem>>, vector<1x64xf32>
    %add3A_26 = vector.broadcast %get3A_25 : vector<1x64xf32> to vector<4096x64xf32>
    %add3A_27 = arith.addf %mul3A_22, %add3A_26 : vector<4096x64xf32>
    %max3A = arith.constant 0.000000e+00 : f32
    %max3A_28 = vector.broadcast %max3A : f32 to vector<4096x64xf32>
    %max3A_29 = arith.maximumf %add3A_27, %max3A_28 : vector<4096x64xf32>
    %get3A_30 = arith.constant 0 : index
    %get3A_31 = arith.constant 0 : index
    %get3A_32 = vector.load %arg8[%get3A_30, %get3A_31] : memref<64x64xf32, #tpu.memory_space<vmem>>, vector<64x64xf32>
    %dot_general3A_33 = arith.constant dense<0.000000e+00> : vector<4096x64xf32>
    %dot_general3A_34 = tpu.matmul %max3A_29, %get3A_32, %dot_general3A_33 {dimension_numbers = #tpu.dot_dimension_numbers<[1], [0], [0], [1], [0, 0, 1, 1], [], []>, precision = #tpu.contract_precision<fp32>, transpose_lhs_hint = false} : vector<4096x64xf32>, vector<64x64xf32>, vector<4096x64xf32> -> vector<4096x64xf32>
    %get3A_35 = arith.constant 0 : index
    %get3A_36 = arith.constant 0 : index
    %get3A_37 = vector.load %arg9[%get3A_35, %get3A_36] : memref<1x64xf32, #tpu.memory_space<vmem>>, vector<1x64xf32>
    %add3A_38 = vector.broadcast %get3A_37 : vector<1x64xf32> to vector<4096x64xf32>
    %add3A_39 = arith.addf %dot_general3A_34, %add3A_38 : vector<4096x64xf32>
    %get3A_40 = arith.constant 0 : index
    %get3A_41 = arith.constant 0 : index
    %get3A_42 = vector.load %arg10[%get3A_40, %get3A_41] : memref<1x64xf32, #tpu.memory_space<vmem>>, vector<1x64xf32>
    %mul3A_43 = vector.broadcast %get3A_42 : vector<1x64xf32> to vector<4096x64xf32>
    %mul3A_44 = arith.mulf %add3A_39, %mul3A_43 : vector<4096x64xf32>
    %get3A_45 = arith.constant 0 : index
    %get3A_46 = arith.constant 0 : index
    %get3A_47 = vector.load %arg11[%get3A_45, %get3A_46] : memref<1x64xf32, #tpu.memory_space<vmem>>, vector<1x64xf32>
    %add3A_48 = vector.broadcast %get3A_47 : vector<1x64xf32> to vector<4096x64xf32>
    %add3A_49 = arith.addf %mul3A_44, %add3A_48 : vector<4096x64xf32>
    %max3A_50 = arith.constant 0.000000e+00 : f32
    %max3A_51 = vector.broadcast %max3A_50 : f32 to vector<4096x64xf32>
    %max3A_52 = arith.maximumf %add3A_49, %max3A_51 : vector<4096x64xf32>
    %slice3A_53 = vector.extract_strided_slice %max3A_52 {offsets = [0, 0], sizes = [128, 64], strides = [1, 1]} : vector<4096x64xf32> to vector<128x64xf32>
    %slice3A_54 = vector.extract_strided_slice %max3A_52 {offsets = [128, 0], sizes = [128, 64], strides = [1, 1]} : vector<4096x64xf32> to vector<128x64xf32>
    %max3A_55 = arith.maximumf %slice3A_53, %slice3A_54 : vector<128x64xf32>
    %slice3A_56 = vector.extract_strided_slice %max3A_52 {offsets = [256, 0], sizes = [128, 64], strides = [1, 1]} : vector<4096x64xf32> to vector<128x64xf32>
    %max3A_57 = arith.maximumf %max3A_55, %slice3A_56 : vector<128x64xf32>
    %slice3A_58 = vector.extract_strided_slice %max3A_52 {offsets = [384, 0], sizes = [128, 64], strides = [1, 1]} : vector<4096x64xf32> to vector<128x64xf32>
    %max3A_59 = arith.maximumf %max3A_57, %slice3A_58 : vector<128x64xf32>
    %slice3A_60 = vector.extract_strided_slice %max3A_52 {offsets = [512, 0], sizes = [128, 64], strides = [1, 1]} : vector<4096x64xf32> to vector<128x64xf32>
    %max3A_61 = arith.maximumf %max3A_59, %slice3A_60 : vector<128x64xf32>
    %slice3A_62 = vector.extract_strided_slice %max3A_52 {offsets = [640, 0], sizes = [128, 64], strides = [1, 1]} : vector<4096x64xf32> to vector<128x64xf32>
    %max3A_63 = arith.maximumf %max3A_61, %slice3A_62 : vector<128x64xf32>
    %slice3A_64 = vector.extract_strided_slice %max3A_52 {offsets = [768, 0], sizes = [128, 64], strides = [1, 1]} : vector<4096x64xf32> to vector<128x64xf32>
    %max3A_65 = arith.maximumf %max3A_63, %slice3A_64 : vector<128x64xf32>
    %slice3A_66 = vector.extract_strided_slice %max3A_52 {offsets = [896, 0], sizes = [128, 64], strides = [1, 1]} : vector<4096x64xf32> to vector<128x64xf32>
    %max3A_67 = arith.maximumf %max3A_65, %slice3A_66 : vector<128x64xf32>
    %slice3A_68 = vector.extract_strided_slice %max3A_52 {offsets = [1024, 0], sizes = [128, 64], strides = [1, 1]} : vector<4096x64xf32> to vector<128x64xf32>
    %max3A_69 = arith.maximumf %max3A_67, %slice3A_68 : vector<128x64xf32>
    %slice3A_70 = vector.extract_strided_slice %max3A_52 {offsets = [1152, 0], sizes = [128, 64], strides = [1, 1]} : vector<4096x64xf32> to vector<128x64xf32>
    %max3A_71 = arith.maximumf %max3A_69, %slice3A_70 : vector<128x64xf32>
    %slice3A_72 = vector.extract_strided_slice %max3A_52 {offsets = [1280, 0], sizes = [128, 64], strides = [1, 1]} : vector<4096x64xf32> to vector<128x64xf32>
    %max3A_73 = arith.maximumf %max3A_71, %slice3A_72 : vector<128x64xf32>
    %slice3A_74 = vector.extract_strided_slice %max3A_52 {offsets = [1408, 0], sizes = [128, 64], strides = [1, 1]} : vector<4096x64xf32> to vector<128x64xf32>
    %max3A_75 = arith.maximumf %max3A_73, %slice3A_74 : vector<128x64xf32>
    %slice3A_76 = vector.extract_strided_slice %max3A_52 {offsets = [1536, 0], sizes = [128, 64], strides = [1, 1]} : vector<4096x64xf32> to vector<128x64xf32>
    %max3A_77 = arith.maximumf %max3A_75, %slice3A_76 : vector<128x64xf32>
    %slice3A_78 = vector.extract_strided_slice %max3A_52 {offsets = [1664, 0], sizes = [128, 64], strides = [1, 1]} : vector<4096x64xf32> to vector<128x64xf32>
    %max3A_79 = arith.maximumf %max3A_77, %slice3A_78 : vector<128x64xf32>
    %slice3A_80 = vector.extract_strided_slice %max3A_52 {offsets = [1792, 0], sizes = [128, 64], strides = [1, 1]} : vector<4096x64xf32> to vector<128x64xf32>
    %max3A_81 = arith.maximumf %max3A_79, %slice3A_80 : vector<128x64xf32>
    %slice3A_82 = vector.extract_strided_slice %max3A_52 {offsets = [1920, 0], sizes = [128, 64], strides = [1, 1]} : vector<4096x64xf32> to vector<128x64xf32>
    %max3A_83 = arith.maximumf %max3A_81, %slice3A_82 : vector<128x64xf32>
    %slice3A_84 = vector.extract_strided_slice %max3A_52 {offsets = [2048, 0], sizes = [128, 64], strides = [1, 1]} : vector<4096x64xf32> to vector<128x64xf32>
    %max3A_85 = arith.maximumf %max3A_83, %slice3A_84 : vector<128x64xf32>
    %slice3A_86 = vector.extract_strided_slice %max3A_52 {offsets = [2176, 0], sizes = [128, 64], strides = [1, 1]} : vector<4096x64xf32> to vector<128x64xf32>
    %max3A_87 = arith.maximumf %max3A_85, %slice3A_86 : vector<128x64xf32>
    %slice3A_88 = vector.extract_strided_slice %max3A_52 {offsets = [2304, 0], sizes = [128, 64], strides = [1, 1]} : vector<4096x64xf32> to vector<128x64xf32>
    %max3A_89 = arith.maximumf %max3A_87, %slice3A_88 : vector<128x64xf32>
    %slice3A_90 = vector.extract_strided_slice %max3A_52 {offsets = [2432, 0], sizes = [128, 64], strides = [1, 1]} : vector<4096x64xf32> to vector<128x64xf32>
    %max3A_91 = arith.maximumf %max3A_89, %slice3A_90 : vector<128x64xf32>
    %slice3A_92 = vector.extract_strided_slice %max3A_52 {offsets = [2560, 0], sizes = [128, 64], strides = [1, 1]} : vector<4096x64xf32> to vector<128x64xf32>
    %max3A_93 = arith.maximumf %max3A_91, %slice3A_92 : vector<128x64xf32>
    %slice3A_94 = vector.extract_strided_slice %max3A_52 {offsets = [2688, 0], sizes = [128, 64], strides = [1, 1]} : vector<4096x64xf32> to vector<128x64xf32>
    %max3A_95 = arith.maximumf %max3A_93, %slice3A_94 : vector<128x64xf32>
    %slice3A_96 = vector.extract_strided_slice %max3A_52 {offsets = [2816, 0], sizes = [128, 64], strides = [1, 1]} : vector<4096x64xf32> to vector<128x64xf32>
    %max3A_97 = arith.maximumf %max3A_95, %slice3A_96 : vector<128x64xf32>
    %slice3A_98 = vector.extract_strided_slice %max3A_52 {offsets = [2944, 0], sizes = [128, 64], strides = [1, 1]} : vector<4096x64xf32> to vector<128x64xf32>
    %max3A_99 = arith.maximumf %max3A_97, %slice3A_98 : vector<128x64xf32>
    %slice3A_100 = vector.extract_strided_slice %max3A_52 {offsets = [3072, 0], sizes = [128, 64], strides = [1, 1]} : vector<4096x64xf32> to vector<128x64xf32>
    %max3A_101 = arith.maximumf %max3A_99, %slice3A_100 : vector<128x64xf32>
    %slice3A_102 = vector.extract_strided_slice %max3A_52 {offsets = [3200, 0], sizes = [128, 64], strides = [1, 1]} : vector<4096x64xf32> to vector<128x64xf32>
    %max3A_103 = arith.maximumf %max3A_101, %slice3A_102 : vector<128x64xf32>
    %slice3A_104 = vector.extract_strided_slice %max3A_52 {offsets = [3328, 0], sizes = [128, 64], strides = [1, 1]} : vector<4096x64xf32> to vector<128x64xf32>
    %max3A_105 = arith.maximumf %max3A_103, %slice3A_104 : vector<128x64xf32>
    %slice3A_106 = vector.extract_strided_slice %max3A_52 {offsets = [3456, 0], sizes = [128, 64], strides = [1, 1]} : vector<4096x64xf32> to vector<128x64xf32>
    %max3A_107 = arith.maximumf %max3A_105, %slice3A_106 : vector<128x64xf32>
    %slice3A_108 = vector.extract_strided_slice %max3A_52 {offsets = [3584, 0], sizes = [128, 64], strides = [1, 1]} : vector<4096x64xf32> to vector<128x64xf32>
    %max3A_109 = arith.maximumf %max3A_107, %slice3A_108 : vector<128x64xf32>
    %slice3A_110 = vector.extract_strided_slice %max3A_52 {offsets = [3712, 0], sizes = [128, 64], strides = [1, 1]} : vector<4096x64xf32> to vector<128x64xf32>
    %max3A_111 = arith.maximumf %max3A_109, %slice3A_110 : vector<128x64xf32>
    %slice3A_112 = vector.extract_strided_slice %max3A_52 {offsets = [3840, 0], sizes = [128, 64], strides = [1, 1]} : vector<4096x64xf32> to vector<128x64xf32>
    %max3A_113 = arith.maximumf %max3A_111, %slice3A_112 : vector<128x64xf32>
    %slice3A_114 = vector.extract_strided_slice %max3A_52 {offsets = [3968, 0], sizes = [128, 64], strides = [1, 1]} : vector<4096x64xf32> to vector<128x64xf32>
    %max3A_115 = arith.maximumf %max3A_113, %slice3A_114 : vector<128x64xf32>
    %swap3A = arith.constant 0 : index
    %swap3A_116 = arith.constant 0 : index
    %swap3A_117 = arith.constant 0 : index
    %swap3A_118 = vector.load %arg12[%swap3A, %swap3A_116, %swap3A_117] : memref<1x128x64xf32, #tpu.memory_space<vmem>>, vector<1x128x64xf32>
    %swap3A_119 = vector.shape_cast %swap3A_118 : vector<1x128x64xf32> to vector<128x64xf32>
    %swap3A_120 = vector.shape_cast %max3A_115 : vector<128x64xf32> to vector<1x128x64xf32>
    tpu.vector_store %arg12[%swap3A, %swap3A_116, %swap3A_117], %swap3A_120 {strides = array<i32>} : memref<1x128x64xf32, #tpu.memory_space<vmem>>, vector<1x128x64xf32>,
    return
  }
  func.func @transform_0(%arg0: i32, %arg1: i32) -> (i32, i32, i32) {
    %c0_i32 = arith.constant 0 : i32
    %c0_i32_0 = arith.constant 0 : i32
    return %arg0, %arg1, %c0_i32 : i32, i32, i32
  }
  func.func @transform_1(%arg0: i32, %arg1: i32) -> (i32, i32, i32) {
    %c0_i32 = arith.constant 0 : i32
    %c0_i32_0 = arith.constant 0 : i32
    return %arg0, %arg1, %c0_i32 : i32, i32, i32
  }
  func.func @transform_2(%arg0: i32, %arg1: i32) -> (i32, i32) {
    %c0_i32 = arith.constant 0 : i32
    %c0_i32_0 = arith.constant 0 : i32
    %c0_i32_1 = arith.constant 0 : i32
    return %c0_i32, %c0_i32_0 : i32, i32
  }
  func.func @transform_3(%arg0: i32, %arg1: i32) -> (i32, i32) {
    %c0_i32 = arith.constant 0 : i32
    %c0_i32_0 = arith.constant 0 : i32
    %c0_i32_1 = arith.constant 0 : i32
    return %c0_i32, %c0_i32_0 : i32, i32
  }
  func.func @transform_4(%arg0: i32, %arg1: i32) -> (i32, i32) {
    %c0_i32 = arith.constant 0 : i32
    %c0_i32_0 = arith.constant 0 : i32
    %c0_i32_1 = arith.constant 0 : i32
    return %c0_i32, %c0_i32_0 : i32, i32
  }
  func.func @transform_5(%arg0: i32, %arg1: i32) -> (i32, i32) {
    %c0_i32 = arith.constant 0 : i32
    %c0_i32_0 = arith.constant 0 : i32
    %c0_i32_1 = arith.constant 0 : i32
    return %c0_i32, %c0_i32_0 : i32, i32
  }
  func.func @transform_6(%arg0: i32, %arg1: i32) -> (i32, i32) {
    %c0_i32 = arith.constant 0 : i32
    %c0_i32_0 = arith.constant 0 : i32
    %c0_i32_1 = arith.constant 0 : i32
    return %c0_i32, %c0_i32_0 : i32, i32
  }
  func.func @transform_7(%arg0: i32, %arg1: i32) -> (i32, i32) {
    %c0_i32 = arith.constant 0 : i32
    %c0_i32_0 = arith.constant 0 : i32
    %c0_i32_1 = arith.constant 0 : i32
    return %c0_i32, %c0_i32_0 : i32, i32
  }
  func.func @transform_8(%arg0: i32, %arg1: i32) -> (i32, i32) {
    %c0_i32 = arith.constant 0 : i32
    %c0_i32_0 = arith.constant 0 : i32
    %c0_i32_1 = arith.constant 0 : i32
    return %c0_i32, %c0_i32_0 : i32, i32
  }
  func.func @transform_9(%arg0: i32, %arg1: i32) -> (i32, i32) {
    %c0_i32 = arith.constant 0 : i32
    %c0_i32_0 = arith.constant 0 : i32
    %c0_i32_1 = arith.constant 0 : i32
    return %c0_i32, %c0_i32_0 : i32, i32
  }
  func.func @transform_10(%arg0: i32, %arg1: i32) -> (i32, i32, i32) {
    %c0_i32 = arith.constant 0 : i32
    %c0_i32_0 = arith.constant 0 : i32
    return %arg0, %arg1, %c0_i32 : i32, i32, i32
  }
}

</mosaic_0001>

<sc_bundles>
// kernel: kernel.8.cloned.1.call-start
scs
__scs_entry_jumppad:
0x0: {  	(pc) =	sbr.rel $0x88, $3  }
0x1: {  	(tag) =	ssettag $0x0;
	lr =	simm.s32 $0x1  }
0x2: {  	[smem:$0x3F97] =	sst lr;
	_ =	strace $0xD0000000  }
0x3: {  	_ = 	snop  }
0x4: {  	_ = 	snop  }
0x5: {  	_ = 	snop  }
0x6: {  	_ = 	snop  }
0x7: {  	_ = 	snop  }
__scs_overlays_trampoline_lowered:
0x8: {  	[smem:$0x3FA6] =	sst s0  }
0x9: {  	[smem:$0x3FA7] =	sst s1  }
0xa: {  	[smem:$0x3FA8] =	sst s2  }
0xb: {  	[smem:$0x3FA9] =	sst s3  }
0xc: {  	[smem:$0x3FAA] =	sst s4  }
0xd: {  	[smem:$0x3FAB] =	sst s5  }
0xe: {  	[smem:$0x3FAC] =	sst s6  }
0xf: {  	[smem:$0x3FAD] =	sst s7  }
0x10: {  	[smem:$0x3FAE] =	sst s8  }
0x11: {  	[smem:$0x3FAF] =	sst s9;
	s0 =	simm.s32 @!p0 $0x0  }
0x12: {  	s1 =	sld [smem:$0x3F95];
	s0 =	simm.s32 @p0 $0x1  }
0x13: {  	[smem:$0x3FB0] =	sst s0;
	s0 =	simm.s32 @!p1 $0x0  }
0x14: {  	s2 =	sld [smem:$0x3F94];
	s0 =	simm.s32 @p1 $0x1  }
0x15: {  	[smem:$0x3FB1] =	sst s0;
	s0 =	simm.s32 @!p2 $0x0  }
0x16: {  	s3 =	sld [smem:$0x3FDB];
	s0 =	simm.s32 @p2 $0x1  }
0x17: {  	s4 =	simm.s32 $0x1BF5;
	[smem:$0x3FB3] =	sst s0  }
0x18: {  	s0 =	sld [smem:$0x3F96];
	_ =	swait.ge [sflag:s4], $0x0  }
0x19: {  	s7 =	sld [smem:$0x3F97]  }
0x1a: {  	s8 =	sadd.s32 $0xFFFFE003, lr  }
0x1b: {  	s9 =	sadd.s32 $0xFFFFFEF7, lr;
	s5 =	simm.s32 $0xFFFFFFFF;
	p2 =	slt.u32 s8, $0xFFFFF086  }
0x1c: {  	p1 =	slt.u32 s9, $0xF7A;
	s5 =	simm.s32 @!p2 $0x0  }
0x1d: {  	s5 =	simm.s32 @p1 $0x1;
	p0 =	seq.s32 s7, s2  }
0x1e: {  	s7 =	smul.u32 @!p0 $0xF7A, s2;
	p2 =	seq.s32 @!p0 s5, $0x0  }
0x1f: {  	s9 =	smul.u32 $0xF7A, s1;
	s8 =	simm.s32 @!p0 $0x1BF5;
	p2 =	por !p2, p0  }
0x20: {  	[sflag:s8] =	ssyncset.s32 @!p0 $0xFFFFF086;
	s6 =	sadd.s32 @!p0 s3, s7;
	s7 =	simm.s32 @!p0 $0x108  }
0x21: {  	s3 =	sadd.s32 s3, s9;
	s6 =	sadd.s32 @!p0 $0x88, s6;
	s7 =	simm.s32 @p2 $0x1082  }
0x22: {  	[simem:s7], [sflag:s8] =	dma.local @!p0 [hbm:s6], $0xF7A  }
0x23: {  	s9 =	sor.u32 $0xD0000000, s2;
	s6 =	simm.s32 $0x108;
	_ =	swait.ge @!p0 [sflag:s8], $0x0  }
0x24: {  	s3 =	sadd.s32 $0x88, s3;
	s6 =	simm.s32 @!p1 $0x1082;
	[sflag:s4] =	ssyncset.s32 $0xFFFFF086  }
0x25: {  	[simem:s6], [sflag:s4] =	dma.local [hbm:s3], $0xF7A  }
0x26: {  	[smem:$0x3F97] =	sst s1;
	(tag) =	ssettag s2;
	_ =	strace s9  }
0x27: {  	s1 =	sld [smem:$0x3FA7]  }
0x28: {  	s2 =	sld [smem:$0x3FA8]  }
0x29: {  	s4 =	sld [smem:$0x3FAA]  }
0x2a: {  	p0 =	seq.s32 s5, $0x0;
	s5 =	sld [smem:$0x3FAB]  }
0x2b: {  	s6 =	sld [smem:$0x3FAC]  }
0x2c: {  	s7 =	sld [smem:$0x3FAD]  }
0x2d: {  	s3 =	simm.s32 $0x108;
	s8 =	sld [smem:$0x3FAE]  }
0x2e: {  	s3 =	simm.s32 @!p0 $0x1082;
	s9 =	sld [smem:$0x3FAF]  }
0x2f: {  	lr =	sadd.s32 s0, s3;
	s0 =	sld [smem:$0x3FA6]  }
0x30: {  	s3 =	sld [smem:$0x3FA9]  }
0x31: {  	[smem:$0x3FB2] =	sst s10  }
0x32: {  	s10 =	sld [smem:$0x3FB0];
	_ =	sdelay $0x3  }
0x33: {  	p0 =	seq.s32 s10, $0x1;
	s10 =	sld [smem:$0x3FB2];
	_ =	sdelay $0x3  }
0x34: {  	[smem:$0x3FB2] =	sst s10  }
0x35: {  	s10 =	sld [smem:$0x3FB1];
	_ =	sdelay $0x3  }
0x36: {  	p1 =	seq.s32 s10, $0x1;
	s10 =	sld [smem:$0x3FB2];
	_ =	sdelay $0x3  }
0x37: {  	[smem:$0x3FB2] =	sst s10  }
0x38: {  	s10 =	sld [smem:$0x3FB3]  }
0x39: {  	_ = 	snop;
	(pc) =	sbr.ind lr, $3  }
0x3a: {  	_ = 	snop  }
0x3b: {  	_ = 	snop  }
0x3c: {  	p2 =	seq.s32 s10, $0x1;
	s10 =	sld [smem:$0x3FB2]  }
0x3d: {  	_ =	shalt  }
0x3e: {  	_ =	shalt  }
0x3f: {  	_ =	shalt  }
0x40: {  	_ =	shalt  }
0x41: {  	_ =	shalt  }
0x42: {  	_ =	shalt  }
0x43: {  	_ =	shalt  }
0x44: {  	_ =	shalt  }
0x45: {  	_ =	shalt  }
0x46: {  	_ =	shalt  }
0x47: {  	_ =	shalt  }
0x48: {  	_ =	shalt  }
0x49: {  	_ =	shalt  }
0x4a: {  	_ =	shalt  }
0x4b: {  	_ =	shalt  }
0x4c: {  	_ =	shalt  }
0x4d: {  	_ =	shalt  }
0x4e: {  	_ =	shalt  }
0x4f: {  	_ =	shalt  }
0x50: {  	_ =	shalt  }
0x51: {  	_ =	shalt  }
0x52: {  	_ =	shalt  }
0x53: {  	_ =	shalt  }
0x54: {  	_ =	shalt  }
0x55: {  	_ =	shalt  }
0x56: {  	_ =	shalt  }
0x57: {  	_ =	shalt  }
0x58: {  	_ =	shalt  }
0x59: {  	_ =	shalt  }
0x5a: {  	_ =	shalt  }
0x5b: {  	_ =	shalt  }
0x5c: {  	_ =	shalt  }
0x5d: {  	_ =	shalt  }
0x5e: {  	_ =	shalt  }
0x5f: {  	_ =	shalt  }
0x60: {  	_ =	shalt  }
0x61: {  	_ =	shalt  }
0x62: {  	_ =	shalt  }
0x63: {  	_ =	shalt  }
0x64: {  	_ =	shalt  }
0x65: {  	_ =	shalt  }
0x66: {  	_ =	shalt  }
0x67: {  	_ =	shalt  }
0x68: {  	_ =	shalt  }
0x69: {  	_ =	shalt  }
0x6a: {  	_ =	shalt  }
0x6b: {  	_ =	shalt  }
0x6c: {  	_ =	shalt  }
0x6d: {  	_ =	shalt  }
0x6e: {  	_ =	shalt  }
0x6f: {  	_ =	shalt  }
0x70: {  	_ =	shalt  }
0x71: {  	_ =	shalt  }
0x72: {  	_ =	shalt  }
0x73: {  	_ =	shalt  }
0x74: {  	_ =	shalt  }
0x75: {  	_ =	shalt  }
0x76: {  	_ =	shalt  }
0x77: {  	_ =	shalt  }
0x78: {  	_ =	shalt  }
0x79: {  	_ =	shalt  }
0x7a: {  	_ =	shalt  }
0x7b: {  	_ =	shalt  }
0x7c: {  	_ =	shalt  }
0x7d: {  	_ =	shalt  }
0x7e: {  	_ =	shalt  }
0x7f: {  	_ =	shalt  }
0x80: {  	_ =	shalt  }
0x81: {  	_ =	shalt  }
0x82: {  	_ =	shalt  }
0x83: {  	_ =	shalt  }
0x84: {  	_ =	shalt  }
0x85: {  	_ =	shalt  }
0x86: {  	_ =	shalt  }
0x87: {  	_ =	shalt  }
.Lfunc_end0:
.L_simem_size_0:
called_computation_lowered:
.L_overlay_start_0:
0x88: {  	s2 =	sld [smem:$0x3FD9]  }
0x89: {  	s3 =	sld [smem:$0x3FFE];
	_ =	sdelay $0x1  }
0x8a: {  	s1 =	srdreg.scid  }
0x8b: {  	s0 =	sand.u32 $0x1, s1  }
0x8c: {  	s14 =	sshll.u32 s0, $0xA;
	s2 =	sadd.s32 s3, s2  }
0x8d: {  	s2 =	sadd.s32 s2, s14  }
0x8e: {  	[smem:$0x3FBE] =	sst s2  }
0x8f: {  	_ = 	snop  }
0x90: {  	s2 =	sld [smem:$0x3FD0];
	_ =	sdelay $0x2  }
0x91: {  	s15 =	simm.s32 $0xA;
	s4 =	simm.s32 $0x10  }
0x92: {  	[smem:s4], [sflag:s15] =	dma.local [hbm:s2], $0x1  }
0x93: {  	_ =	swait.eq [sflag:s15], $0x1  }
0x94: {  	[sflag:s15] =	ssyncset.done $0x0  }
0x95: {  	[sflag:s15] =	ssyncadd.s32 $0xFFFFFFFF  }
0x96: {  	s16 =	sld [smem:$0x11];
	(tm) =	ssettm $0x1  }
0x97: {  	s17 =	sld [smem:$0x3FFB];
	_ =	sdelay $0x3  }
0x98: {  	_ =	strace s17  }
0x99: {  	s3 =	sld [smem:$0x3FFC];
	_ =	sdelay $0x3  }
0x9a: {  	_ =	strace s3  }
0x9b: {  	s3 =	sld [smem:$0x3FFD];
	_ =	sdelay $0x3  }
0x9c: {  	_ =	strace s3  }
0x9d: {  	_ =	strace $0x8FFFFFFF  }
0x9e: {  	s18 =	sld [smem:$0x3FDB];
	_ =	sdelay $0x1  }
0x9f: {  	s19 =	simm.s32 $_scs_section_size  }
0xa0: {  	s5 =	simm.s32 $_size__tile_overlayer_lowered;
	s6 =	simm.s32 $_tile_overlayer_lowered  }
0xa1: {  	s22 =	simm.s32 $0x1BFF;
	s21 =	sshll.u32 s6, $0x1;
	s3 =	sadd.s32 s19, s18  }
0xa2: {  	s7 =	simm.s32 $0x0;
	s20 =	sshll.u32 s5, $0x1;
	s5 =	sadd.s32 s21, s3  }
0xa3: {  	[timem:s7], [sflag:s22] =	dma.local [hbm:s5], s20  }
0xa4: {  	_ =	swait.ge [sflag:s22], s20  }
0xa5: {  	s4 =	ssub.s32 $0x0, s20;
	[sflag:s22] =	ssyncset.done $0x0  }
0xa6: {  	[sflag:s22] =	ssyncadd.s32 s4;
	_ =	sdelay $0x1  }
0xa7: {  	s23 =	simm.s32 $0x1B8B  }
0xa8: {  	_ =	swait.ge [sflag:s23], $0x1  }
0xa9: {  	[sflag:s23] =	ssyncset.done $0x0  }
0xaa: {  	s25 =	simm.s32 $0x1B8E;
	s24 =	sld [smem:$0x3FFE];
	[sflag:s23] =	ssyncadd.s32 $0xFFFFFFFF  }
0xab: {  	s26 =	simm.s32 $execute0_lowered;
	[smem:$0x3FD2] =	sst s25  }
0xac: {  	s5 =	sshll.u32 s26, $0x1;
	_ =	strace $0x80000046;
	[dreg:$0x1] =	wrdreg $0xFFFFFFFF  }
0xad: {  	s28 =	simm.s32 $_size_execute0_lowered;
	s3 =	sadd.s32 s3, s5;
	[dreg:$0x0] =	wrdreg $0x0  }
0xae: {  	s5 =	sshll.u32 s28, $0x1;
	[dreg:$0x2] =	wrdreg s3  }
0xaf: {  	[dreg:$0x3] =	wrdreg s5  }
0xb0: {  	[dreg:$0x4] =	wrdreg $0xC0  }
0xb1: {  	_ =	task [dreg:s7], $0x5FFFF  }
0xb2: {  	[dreg:$0x1] =	wrdreg $0xFFFFFFFF  }
0xb3: {  	[dreg:$0x0] =	wrdreg $0x60  }
0xb4: {  	[dreg:$0x2] =	wrdreg s16  }
0xb5: {  	[dreg:$0x3] =	wrdreg s24  }
0xb6: {  	[dreg:$0x4] =	wrdreg $0x9  }
0xb7: {  	_ =	task.clear_ibuf [dreg:s7], $0x5FFFF;
	_ =	strace $0x90000046  }
0xb8: {  	s29 =	simm.s32 $0x9;
	_ =	strace $0x80000048  }
0xb9: {  	_ =	swait.ge [sflag:s29], $0x1  }
0xba: {  	[sflag:s29] =	ssyncadd.s32 $0xFFFFFFFF  }
0xbb: {  	_ =	strace $0x90000048  }
0xbc: {  	_ =	sfence  }
0xbd: {  	s30 =	sld [smem:$0x0];
	_ =	sdelay $0x2  }
0xbe: {  	s31 =	sshll.u32 s1, $0xD;
	s1 =	sshrl.u32 s1, $0x2  }
0xbf: {  	s3 =	sand.u32 $0x4000, s31;
	s1 =	sadd.s32 s1, s30  }
0xc0: {  	s0 =	sor.u32 s3, s0;
	s1 =	sshll.u32 s1, $0x11  }
0xc1: {  	s0 =	sor.u32 s1, s0  }
0xc2: {  	s0 =	sadd.s32 $0x8F2B, s0  }
0xc3: {  	[sflag:s0] =	ssyncadd.remote.s32 $0x1  }
0xc4: {  	_ =	sfence.sel $0xFFFF  }
0xc5: {  	[dreg:$0x0] =	wrdreg $0xFFFFFFFF;
	(pc) =	sbr.abs _section_cstart, $3  }
0xc6: {  	[dreg:$0x1] =	wrdreg $0xFFFFFFFF  }
0xc7: {  	_ =	task.clear_ibuf [dreg:s7], $0x2FFFF;
	_ =	strace $0x9FFFFFFF  }
0xc8: {  	(tm) =	ssettm $0x7FFFFFFF  }
0xc9: {  	_ =	shalt  }
tec
execute0_lowered:
.L_overlay_start_1:
0x0: {  	(tag) =	ssettag $0x1  }
0x1: {  	s4 =	rddreg [dreg:$0x0]  }
0x2: {  	s5 =	rddreg [dreg:$0x1]  }
0x3: {  	s0 =	rddreg [dreg:$0x2];
	s2 =	simm.s32 $0x0;
	s1 =	stileid.u32  }
0x4: {  	s6 =	srdreg.scid;
	s11 =	simm.s32 $0x0;
	[smem:$0x7FF] =	sst s2  }
0x5: {  	s3 =	sadd.s32 $0x81400, s5;
	s7 =	sshll.u32 s1, $0xE;
	s6 =	sand.u32 $0x1, s6  }
0x6: {  	s9 =	sshll.u32 s1, $0xC;
	_ =	strace $0x80000047;
	s8 =	ssub.s32 $0x2, s6  }
0x7: {  	s10 =	sshll.u32 s6, $0xB;
	s7 =	sadd.s32 s7, s5;
	s6 =	sshll.u32 s6, $0xD  }
0x8: {  	s30 =	sshrl.u32 s8, $0x1;
	s9 =	sor.u32 s10, s9;
	s6 =	sadd.s32 s6, s7  }
0x9: {  	s7 =	simm.s32 $0x2;
	s10 =	simm.s32 $0x1;
	s5 =	ssub.s32 s8, s30  }
0xa: {  	s31 =	sshrl.u32 s9, $0x3;
	s6 =	sadd.s32 $0x1400, s6;
	s8 =	simm.s32 $0x80  }
0xb: {  	s9 =	simm.s32 $0x800;
	s4 =	sadd.s32 s4, s31;
	s5 =	smax.u32 s5, $0x1  }
.LBB2_1:
0xc: {  	[tilespmem:s2], [sflag:$0x2] =	stream.linear.gather [hbm4b:s4+s2], $0x800, $0x38;
	[tilespmem:$0x1800] =	vst v63  }
0xd: {  	_ =	swait.ge [sflag:s7], $0x800  }
0xe: {  	[sflag:s7] =	ssyncset.done $0x0  }
0xf: {  	s12 =	simm.s32 $0x0;
	[sflag:s7] =	ssyncadd.s32 $0xFFFFF800  }
0x10: {  	[tilespmem:s9], [sflag:$0x1] =	stream.indirect.gather [hbm4b:s3+s8], $0x20, s12, s8, $0xb8;
	[tilespmem:$0x1800] =	vst v63  }
0x11: {  	_ =	swait.ge [sflag:s10], $0x1000  }
0x12: {  	[sflag:s10] =	ssyncset.done $0x0  }
0x13: {  	s31 =	sadd.s32 $0x0, s6;
	[sflag:s10] =	ssyncadd.s32 $0xFFFFF000  }
0x14: {  	[hbm4b:s31+s2] =	stream.linear.scatter [tilespmem:s9], [sflag:$0x2], $0x1000, $0x38;
	[tilespmem:$0x1800] =	vst v63  }
0x15: {  	_ =	swait.ge [sflag:s7], $0x1000  }
0x16: {  	s13 =	simm.s32 $0x400;
	s12 =	simm.s32 $0x200;
	[sflag:s7] =	ssyncset.done $0x0  }
.LBB2_2:
0x17: {  	s14 =	sshra.s32 s12, $0x2  }
0x18: {  	[sflag:s7] =	ssyncadd.s32 $0xFFFFF000;
	s15 =	smov.u32 s13;
	s16 =	sadd.s32 $0x200, s13  }
0x19: {  	[tilespmem:s9], [sflag:$0x1] =	stream.indirect.gather [hbm4b:s3+s8], $0x20, s14, s8, $0xb8;
	[tilespmem:$0x1800] =	vst v63  }
0x1a: {  	p0 =	sne.s32 s13, $0x1E00;
	_ =	swait.ge [sflag:s10], $0x1000  }
.Ltmp0:
0x1b: {  	[sflag:s10] =	ssyncset.done $0x0;
	(pc) =	sbr.rel @p0 .LBB2_2-.Ltmp0, $4  }
0x1c: {  	s13 =	sadd.s32 s12, s6;
	s12 =	smov.u32 s15;
	[sflag:s10] =	ssyncadd.s32 $0xFFFFF000  }
0x1d: {  	[hbm4b:s13+s2] =	stream.linear.scatter [tilespmem:s9], [sflag:$0x2], $0x1000, $0x38;
	[tilespmem:$0x1800] =	vst v63  }
0x1e: {  	_ =	swait.ge [sflag:s7], $0x1000  }
0x1f: {  	s13 =	smov.u32 s16;
	[sflag:s7] =	ssyncset.done $0x0  }
0x20: {  	s13 =	sshra.s32 s12, $0x2;
	[sflag:s7] =	ssyncadd.s32 $0xFFFFF000  }
0x21: {  	[tilespmem:s9], [sflag:$0x1] =	stream.indirect.gather [hbm4b:s3+s8], $0x20, s13, s8, $0xb8;
	[tilespmem:$0x1800] =	vst v63  }
0x22: {  	s11 =	sadd.s32 $0x1, s11;
	_ =	swait.ge [sflag:s10], $0x1000  }
0x23: {  	p0 =	sne.s32 s11, s5;
	[sflag:s10] =	ssyncset.done $0x0  }
.Ltmp1:
0x24: {  	s31 =	sadd.s32 s12, s6;
	[sflag:s10] =	ssyncadd.s32 $0xFFFFF000;
	(pc) =	sbr.rel @p0 .LBB2_1-.Ltmp1, $4  }
0x25: {  	[hbm4b:s31+s2] =	stream.linear.scatter [tilespmem:s9], [sflag:$0x2], $0x1000, $0x38;
	[tilespmem:$0x1800] =	vst v63  }
0x26: {  	_ =	swait.ge [sflag:s7], $0x1000  }
0x27: {  	[sflag:s7] =	ssyncset.done $0x0  }
0x28: {  	[sflag:s7] =	ssyncadd.s32 $0xFFFFF000  }
0x29: {  	_ =	sfence.sel $0x180000  }
0x2a: {  	[bflag:$0x0] =	sbarrier.arrive $0xFFFF  }
0x2b: {  	p0 =	sne.s32 s1, $0x0;
	_ =	strace $0x90000047  }
0x2c: {  	s0 =	sadd.s32 @!p0 $0x100000, s0;
	[bflag:$0x2] =	sbarrier.arrive $0xFFFF  }
0x2d: {  	[sflag:s0] =	ssyncadd.tile.s32 @!p0 $0x1;
	_ =	shalt  }
.Lfunc_end2:
_tile_overlayer_lowered:
.L_overlay_start_2:
0x2e: {  	(tag) =	ssettag $0x2  }
0x2f: {  	s0 =	rddreg [dreg:$0x0];
	s2 =	stileid.u32  }
0x30: {  	s1 =	rddreg [dreg:$0x1];
	p0 =	sne.s32 s2, $0x0  }
0x31: {  	s3 =	rddreg [dreg:$0x2];
	[bflag:$0x3] =	sbarrier.arrive $0xFFFF;
	s2 =	simm.s32 @!p0 $0x1C02  }
0x32: {  	[timem:s3], [sflag:s2] =	dma.local @!p0 [hbm:s0], s1  }
0x33: {  	s0 =	simm.s32 @!p0 $0x2  }
0x34: {  	_ =	swait.ge @!p0 [sflag:s0], s1  }
0x35: {  	s1 =	ssub.s32 @!p0 $0x0, s1;
	[sflag:s0] =	ssyncset.done @!p0 $0x0  }
0x36: {  	[sflag:s0] =	ssyncadd.s32 @!p0 s1  }
0x37: {  	[bflag:$0x3] =	sbarrier.arrive $0xFFFF  }
0x38: {  	_ =	shalt  }

</sc_bundles>
